<compile_context>
chip_gen: v7x
topology: tpu7x:2x2x1
jax: 0.10.2.dev20260603
libtpu: 0.0.44.dev20260713+nightly
codegen_flags: <defaults>
</compile_context>

<pallas_src>
import functools

import jax
import jax.numpy as jnp
from jax import lax
from jax.experimental import pallas as pl
from jax.experimental.pallas import tpu as pltpu
from jax.experimental.pallas import tpu_sc as plsc

NC = 2
NS = 16
NW = NC * NS

BATCH = 16384
HIST = 50
EMBED_DIM = 64
HP = 56
DP = 128
B_PER_W = BATCH // NW
NB = 8
CHUNK = NB * HIST
N_CHUNKS = B_PER_W // NB


def _make_sc_gather():
    mesh = plsc.VectorSubcoreMesh(core_axis_name="c", subcore_axis_name="s")

    @functools.partial(
        pl.kernel,
        out_type=jax.ShapeDtypeStruct((BATCH, HP, DP), jnp.float32),
        mesh=mesh,
        scratch_types=[
            pltpu.VMEM((B_PER_W * HIST,), jnp.int32),
            pltpu.VMEM((3 * CHUNK, EMBED_DIM), jnp.float32),
            pltpu.SemaphoreType.DMA,
            pltpu.SemaphoreType.DMA,
        ],
        compiler_params=pltpu.CompilerParams(use_tc_tiling_on_sc=False),
    )
    def k(idx_hbm, table_hbm, out_hbm, idx_v, rows_v, gsem, wsem):
        wid = lax.axis_index("s") * NC + lax.axis_index("c")
        wb0 = wid * B_PER_W

        pltpu.sync_copy(idx_hbm.at[pl.ds(wb0 * HIST, B_PER_W * HIST)], idx_v)

        def rows_buf(g):
            return rows_v.at[pl.ds((g % 3) * CHUNK, CHUNK)]

        def start_gather(g):
            pltpu.async_copy(
                table_hbm.at[idx_v.at[pl.ds(g * CHUNK, CHUNK)]],
                rows_buf(g), gsem)

        def wait_gather(g):
            pltpu.make_async_copy(
                table_hbm.at[idx_v.at[pl.ds(g * CHUNK, CHUNK)]],
                rows_buf(g), gsem).wait()

        def start_wb(g):
            b = (g % 3) * CHUNK
            for j in range(NB):
                pltpu.async_copy(
                    rows_v.at[pl.ds(b + j * HIST, HIST)],
                    out_hbm.at[wb0 + g * NB + j, pl.ds(0, HIST),
                               pl.ds(0, EMBED_DIM)],
                    wsem)

        def wait_wb(g):
            b = (g % 3) * CHUNK
            for j in range(NB):
                pltpu.make_async_copy(
                    rows_v.at[pl.ds(b + j * HIST, HIST)],
                    out_hbm.at[wb0 + g * NB + j, pl.ds(0, HIST),
                               pl.ds(0, EMBED_DIM)],
                    wsem).wait()

        start_gather(0)
        start_gather(1)
        wait_gather(0)
        start_gather(2)
        start_wb(0)

        @pl.loop(1, N_CHUNKS - 2)
        def _(g):
            wait_gather(g)
            wait_wb(g - 1)
            start_gather(g + 2)
            start_wb(g)

        wait_gather(N_CHUNKS - 2)
        wait_wb(N_CHUNKS - 3)
        start_wb(N_CHUNKS - 2)
        wait_gather(N_CHUNKS - 1)
        wait_wb(N_CHUNKS - 2)
        start_wb(N_CHUNKS - 1)
        wait_wb(N_CHUNKS - 1)

    return k


_sc_gather = _make_sc_gather()


@jax.jit
def kernel(gps_idx, table):
    idx_flat = gps_idx.astype(jnp.int32).reshape(-1)
    out3 = _sc_gather(idx_flat, table)
    return out3[:, :HIST, :EMBED_DIM]

# --- scband reference (transcript-rebuilt; emitter-appended) ---
"""Pipeline reference for scband-gpsembeddings-53635551592504 (READ-ONLY COPY).

The authoritative reference and input builder live on the scoring server;
editing this copy changes nothing except your own understanding.
"""

import jax, jax.numpy as jnp
import numpy as np

NUM_GPS = 1000000
EMBED_DIM = 64
BATCH = 16384
HIST = 50

def setup_inputs(seed: int = 0) -> dict:
    key = jax.random.key(seed)
    k_idx, k_tab = jax.random.split(key)
    gps_idx = jax.random.randint(k_idx, (BATCH, HIST), 0, NUM_GPS, dtype=jnp.int64 if jax.config.jax_enable_x64 else jnp.int32)
    table = jax.random.normal(k_tab, (NUM_GPS, EMBED_DIM), dtype=jnp.float32)
    return {"gps_idx": gps_idx, "table": table}

def reference(gps_idx, table):
    # nn.Embedding forward: gather rows of the embedding table
    embed = jnp.take(table, gps_idx, axis=0)
    return embed

if __name__ == "__main__":
    import jax
    _d = setup_inputs()
    print(jax.jit(kernel)(*tuple(_d.values())))

</pallas_src>

<mosaic_0001>
#map = affine_map<(d0, d1) -> (0)>
#map1 = affine_map<(d0, d1) -> (0, 0)>
#map2 = affine_map<(d0, d1) -> (0, 0, 0)>
module attributes {stable_mosaic.version = 14 : i64} {
  func.func @k(%arg0: i32, %arg1: i32, %arg2: memref<819200xi32, #tpu.memory_space<hbm>>, %arg3: memref<1000000x64xf32, #tpu.memory_space<hbm>>, %arg4: memref<16384x56x128xf32, #tpu.memory_space<hbm>>, %arg5: memref<25600xi32, #tpu.memory_space<vmem>>, %arg6: memref<1200x64xf32, #tpu.memory_space<vmem>>, %arg7: memref<!tpu.dma_semaphore, #tpu.memory_space<semaphore_mem>>, %arg8: memref<!tpu.dma_semaphore, #tpu.memory_space<semaphore_mem>>) attributes {dimension_semantics = [#tpu.dimension_semantics<core_parallel>, #tpu.dimension_semantics<subcore_parallel>], iteration_bounds = array<i64: 2, 16>, scalar_prefetch = 0 : i64, scratch_operands = 4 : i64, tpu.core_type = #tpu.core_type<sc_vector_subcore>, window_params = [{transform_indices = #map}, {transform_indices = #map1}, {transform_indices = #map2}]} {
    %mul3A = arith.constant 2 : i32
    %mul3A_0 = arith.muli %arg1, %mul3A : i32
    %add3A = arith.addi %mul3A_0, %arg0 : i32
    %mul3A_1 = arith.constant 512 : i32
    %mul3A_2 = arith.muli %add3A, %mul3A_1 : i32
    %mul3A_3 = arith.constant 50 : i32
    %mul3A_4 = arith.muli %mul3A_2, %mul3A_3 : i32
    "tpu.region"() ({
      %run_scoped3A = tpu.sem_alloc : memref<!tpu.dma_semaphore, #tpu.memory_space<semaphore_mem>>
      %dma_start3A_919 = tpu.memref_slice %arg2[%mul3A_4] : memref<819200xi32, #tpu.memory_space<hbm>> -> memref<25600xi32, #tpu.memory_space<hbm>>
      %dma_start3A_920 = tpu.memref_slice %arg2[%mul3A_4] : memref<819200xi32, #tpu.memory_space<hbm>> -> memref<25600xi32, #tpu.memory_space<hbm>>
      tpu.enqueue_dma source(%dma_start3A_920 : memref<25600xi32, #tpu.memory_space<hbm>>) target(%arg5 : memref<25600xi32, #tpu.memory_space<vmem>>) target_semaphore(%run_scoped3A : memref<!tpu.dma_semaphore, #tpu.memory_space<semaphore_mem>>)
      %dma_wait3A_921 = tpu.memref_slice %arg2[%mul3A_4] : memref<819200xi32, #tpu.memory_space<hbm>> -> memref<25600xi32, #tpu.memory_space<hbm>>
      %dma_wait3A_922 = tpu.memref_slice %arg2[%mul3A_4] : memref<819200xi32, #tpu.memory_space<hbm>> -> memref<25600xi32, #tpu.memory_space<hbm>>
      tpu.wait_dma2 semaphore(%run_scoped3A : memref<!tpu.dma_semaphore, #tpu.memory_space<semaphore_mem>>) src(%dma_wait3A_922 : memref<25600xi32, #tpu.memory_space<hbm>>) dst(%arg5 : memref<25600xi32, #tpu.memory_space<vmem>>)
      tpu.yield
    }) : () -> ()
    %dma_start3A = arith.constant 0 : i32
    %dma_start3A_5 = arith.constant 0 : i32
    %dma_start3A_6 = tpu.memref_slice %arg6[%dma_start3A, %dma_start3A_5] : memref<1200x64xf32, #tpu.memory_space<vmem>> -> memref<400x64xf32, #tpu.memory_space<vmem>>
    %dma_start3A_7 = arith.constant 0 : i32
    %dma_start3A_8 = tpu.memref_slice %arg5[%dma_start3A_7] : memref<25600xi32, #tpu.memory_space<vmem>> -> memref<400xi32, #tpu.memory_space<vmem>>
    %dma_start3A_9 = arith.constant 0 : i32
    %dma_start3A_10 = arith.constant 0 : i32
    %dma_start3A_11 = tpu.memref_slice %arg3[%dma_start3A_9, %dma_start3A_10] : memref<1000000x64xf32, #tpu.memory_space<hbm>> -> memref<1000000x64xf32, #tpu.memory_space<hbm>>
    tpu.enqueue_indirect_dma source(%dma_start3A_11 : memref<1000000x64xf32, #tpu.memory_space<hbm>>) target(%dma_start3A_6 : memref<400x64xf32, #tpu.memory_space<vmem>>) offsets(%dma_start3A_8 : memref<400xi32, #tpu.memory_space<vmem>>) semaphore(%arg7 : memref<!tpu.dma_semaphore, #tpu.memory_space<semaphore_mem>>)
    %dma_start3A_12 = arith.constant 400 : i32
    %dma_start3A_13 = arith.constant 0 : i32
    %dma_start3A_14 = tpu.memref_slice %arg6[%dma_start3A_12, %dma_start3A_13] : memref<1200x64xf32, #tpu.memory_space<vmem>> -> memref<400x64xf32, #tpu.memory_space<vmem>>
    %dma_start3A_15 = arith.constant 400 : i32
    %dma_start3A_16 = tpu.memref_slice %arg5[%dma_start3A_15] : memref<25600xi32, #tpu.memory_space<vmem>> -> memref<400xi32, #tpu.memory_space<vmem>>
    %dma_start3A_17 = arith.constant 0 : i32
    %dma_start3A_18 = arith.constant 0 : i32
    %dma_start3A_19 = tpu.memref_slice %arg3[%dma_start3A_17, %dma_start3A_18] : memref<1000000x64xf32, #tpu.memory_space<hbm>> -> memref<1000000x64xf32, #tpu.memory_space<hbm>>
    tpu.enqueue_indirect_dma source(%dma_start3A_19 : memref<1000000x64xf32, #tpu.memory_space<hbm>>) target(%dma_start3A_14 : memref<400x64xf32, #tpu.memory_space<vmem>>) offsets(%dma_start3A_16 : memref<400xi32, #tpu.memory_space<vmem>>) semaphore(%arg7 : memref<!tpu.dma_semaphore, #tpu.memory_space<semaphore_mem>>)
    %dma_wait3A = arith.constant 0 : i32
    %dma_wait3A_20 = arith.constant 0 : i32
    %dma_wait3A_21 = tpu.memref_slice %arg6[%dma_wait3A, %dma_wait3A_20] : memref<1200x64xf32, #tpu.memory_space<vmem>> -> memref<400x64xf32, #tpu.memory_space<vmem>>
    %dma_wait3A_22 = arith.constant 0 : i32
    %dma_wait3A_23 = tpu.memref_slice %arg5[%dma_wait3A_22] : memref<25600xi32, #tpu.memory_space<vmem>> -> memref<400xi32, #tpu.memory_space<vmem>>
    %dma_wait3A_24 = arith.constant 0 : i32
    %dma_wait3A_25 = arith.constant 0 : i32
    %dma_wait3A_26 = tpu.memref_slice %arg3[%dma_wait3A_24, %dma_wait3A_25] : memref<1000000x64xf32, #tpu.memory_space<hbm>> -> memref<1000000x64xf32, #tpu.memory_space<hbm>>
    tpu.wait_indirect_dma semaphore(%arg7 : memref<!tpu.dma_semaphore, #tpu.memory_space<semaphore_mem>>) src(%dma_wait3A_26 : memref<1000000x64xf32, #tpu.memory_space<hbm>>) dst(%dma_wait3A_21 : memref<400x64xf32, #tpu.memory_space<vmem>>)
    %dma_start3A_27 = arith.constant 800 : i32
    %dma_start3A_28 = arith.constant 0 : i32
    %dma_start3A_29 = tpu.memref_slice %arg6[%dma_start3A_27, %dma_start3A_28] : memref<1200x64xf32, #tpu.memory_space<vmem>> -> memref<400x64xf32, #tpu.memory_space<vmem>>
    %dma_start3A_30 = arith.constant 800 : i32
    %dma_start3A_31 = tpu.memref_slice %arg5[%dma_start3A_30] : memref<25600xi32, #tpu.memory_space<vmem>> -> memref<400xi32, #tpu.memory_space<vmem>>
    %dma_start3A_32 = arith.constant 0 : i32
    %dma_start3A_33 = arith.constant 0 : i32
    %dma_start3A_34 = tpu.memref_slice %arg3[%dma_start3A_32, %dma_start3A_33] : memref<1000000x64xf32, #tpu.memory_space<hbm>> -> memref<1000000x64xf32, #tpu.memory_space<hbm>>
    tpu.enqueue_indirect_dma source(%dma_start3A_34 : memref<1000000x64xf32, #tpu.memory_space<hbm>>) target(%dma_start3A_29 : memref<400x64xf32, #tpu.memory_space<vmem>>) offsets(%dma_start3A_31 : memref<400xi32, #tpu.memory_space<vmem>>) semaphore(%arg7 : memref<!tpu.dma_semaphore, #tpu.memory_space<semaphore_mem>>)
    %add3A_35 = arith.constant 0 : i32
    %add3A_36 = arith.addi %mul3A_2, %add3A_35 : i32
    %add3A_37 = arith.constant 0 : i32
    %add3A_38 = arith.addi %add3A_36, %add3A_37 : i32
    %dma_start3A_39 = arith.constant 0 : i32
    %dma_start3A_40 = arith.constant 0 : i32
    %dma_start3A_41 = tpu.memref_slice %arg6[%dma_start3A_39, %dma_start3A_40] : memref<1200x64xf32, #tpu.memory_space<vmem>> -> memref<50x64xf32, #tpu.memory_space<vmem>>
    %dma_start3A_42 = arith.constant 0 : i32
    %dma_start3A_43 = arith.constant 0 : i32
    %dma_start3A_44 = tpu.memref_slice %arg4[%add3A_38, %dma_start3A_42, %dma_start3A_43] : memref<16384x56x128xf32, #tpu.memory_space<hbm>> -> memref<1x50x64xf32, #tpu.memory_space<hbm>>
    %dma_start3A_45 = tpu.memref_squeeze %dma_start3A_44 : memref<1x50x64xf32, #tpu.memory_space<hbm>> -> memref<50x64xf32, #tpu.memory_space<hbm>>
    %dma_start3A_46 = arith.constant 0 : i32
    %dma_start3A_47 = arith.constant 0 : i32
    %dma_start3A_48 = tpu.memref_slice %arg4[%add3A_38, %dma_start3A_46, %dma_start3A_47] : memref<16384x56x128xf32, #tpu.memory_space<hbm>> -> memref<1x50x64xf32, #tpu.memory_space<hbm>>
    %dma_start3A_49 = tpu.memref_squeeze %dma_start3A_48 : memref<1x50x64xf32, #tpu.memory_space<hbm>> -> memref<50x64xf32, #tpu.memory_space<hbm>>
    %dma_start3A_50 = arith.constant 0 : i32
    %dma_start3A_51 = arith.constant 0 : i32
    %dma_start3A_52 = tpu.memref_slice %arg6[%dma_start3A_50, %dma_start3A_51] : memref<1200x64xf32, #tpu.memory_space<vmem>> -> memref<50x64xf32, #tpu.memory_space<vmem>>
    tpu.enqueue_dma source(%dma_start3A_52 : memref<50x64xf32, #tpu.memory_space<vmem>>) target(%dma_start3A_49 : memref<50x64xf32, #tpu.memory_space<hbm>>) target_semaphore(%arg8 : memref<!tpu.dma_semaphore, #tpu.memory_space<semaphore_mem>>)
    %add3A_53 = arith.constant 0 : i32
    %add3A_54 = arith.addi %mul3A_2, %add3A_53 : i32
    %add3A_55 = arith.constant 1 : i32
    %add3A_56 = arith.addi %add3A_54, %add3A_55 : i32
    %dma_start3A_57 = arith.constant 50 : i32
    %dma_start3A_58 = arith.constant 0 : i32
    %dma_start3A_59 = tpu.memref_slice %arg6[%dma_start3A_57, %dma_start3A_58] : memref<1200x64xf32, #tpu.memory_space<vmem>> -> memref<50x64xf32, #tpu.memory_space<vmem>>
    %dma_start3A_60 = arith.constant 0 : i32
    %dma_start3A_61 = arith.constant 0 : i32
    %dma_start3A_62 = tpu.memref_slice %arg4[%add3A_56, %dma_start3A_60, %dma_start3A_61] : memref<16384x56x128xf32, #tpu.memory_space<hbm>> -> memref<1x50x64xf32, #tpu.memory_space<hbm>>
    %dma_start3A_63 = tpu.memref_squeeze %dma_start3A_62 : memref<1x50x64xf32, #tpu.memory_space<hbm>> -> memref<50x64xf32, #tpu.memory_space<hbm>>
    %dma_start3A_64 = arith.constant 0 : i32
    %dma_start3A_65 = arith.constant 0 : i32
    %dma_start3A_66 = tpu.memref_slice %arg4[%add3A_56, %dma_start3A_64, %dma_start3A_65] : memref<16384x56x128xf32, #tpu.memory_space<hbm>> -> memref<1x50x64xf32, #tpu.memory_space<hbm>>
    %dma_start3A_67 = tpu.memref_squeeze %dma_start3A_66 : memref<1x50x64xf32, #tpu.memory_space<hbm>> -> memref<50x64xf32, #tpu.memory_space<hbm>>
    %dma_start3A_68 = arith.constant 50 : i32
    %dma_start3A_69 = arith.constant 0 : i32
    %dma_start3A_70 = tpu.memref_slice %arg6[%dma_start3A_68, %dma_start3A_69] : memref<1200x64xf32, #tpu.memory_space<vmem>> -> memref<50x64xf32, #tpu.memory_space<vmem>>
    tpu.enqueue_dma source(%dma_start3A_70 : memref<50x64xf32, #tpu.memory_space<vmem>>) target(%dma_start3A_67 : memref<50x64xf32, #tpu.memory_space<hbm>>) target_semaphore(%arg8 : memref<!tpu.dma_semaphore, #tpu.memory_space<semaphore_mem>>)
    %add3A_71 = arith.constant 0 : i32
    %add3A_72 = arith.addi %mul3A_2, %add3A_71 : i32
    %add3A_73 = arith.constant 2 : i32
    %add3A_74 = arith.addi %add3A_72, %add3A_73 : i32
    %dma_start3A_75 = arith.constant 100 : i32
    %dma_start3A_76 = arith.constant 0 : i32
    %dma_start3A_77 = tpu.memref_slice %arg6[%dma_start3A_75, %dma_start3A_76] : memref<1200x64xf32, #tpu.memory_space<vmem>> -> memref<50x64xf32, #tpu.memory_space<vmem>>
    %dma_start3A_78 = arith.constant 0 : i32
    %dma_start3A_79 = arith.constant 0 : i32
    %dma_start3A_80 = tpu.memref_slice %arg4[%add3A_74, %dma_start3A_78, %dma_start3A_79] : memref<16384x56x128xf32, #tpu.memory_space<hbm>> -> memref<1x50x64xf32, #tpu.memory_space<hbm>>
    %dma_start3A_81 = tpu.memref_squeeze %dma_start3A_80 : memref<1x50x64xf32, #tpu.memory_space<hbm>> -> memref<50x64xf32, #tpu.memory_space<hbm>>
    %dma_start3A_82 = arith.constant 0 : i32
    %dma_start3A_83 = arith.constant 0 : i32
    %dma_start3A_84 = tpu.memref_slice %arg4[%add3A_74, %dma_start3A_82, %dma_start3A_83] : memref<16384x56x128xf32, #tpu.memory_space<hbm>> -> memref<1x50x64xf32, #tpu.memory_space<hbm>>
    %dma_start3A_85 = tpu.memref_squeeze %dma_start3A_84 : memref<1x50x64xf32, #tpu.memory_space<hbm>> -> memref<50x64xf32, #tpu.memory_space<hbm>>
    %dma_start3A_86 = arith.constant 100 : i32
    %dma_start3A_87 = arith.constant 0 : i32
    %dma_start3A_88 = tpu.memref_slice %arg6[%dma_start3A_86, %dma_start3A_87] : memref<1200x64xf32, #tpu.memory_space<vmem>> -> memref<50x64xf32, #tpu.memory_space<vmem>>
    tpu.enqueue_dma source(%dma_start3A_88 : memref<50x64xf32, #tpu.memory_space<vmem>>) target(%dma_start3A_85 : memref<50x64xf32, #tpu.memory_space<hbm>>) target_semaphore(%arg8 : memref<!tpu.dma_semaphore, #tpu.memory_space<semaphore_mem>>)
    %add3A_89 = arith.constant 0 : i32
    %add3A_90 = arith.addi %mul3A_2, %add3A_89 : i32
    %add3A_91 = arith.constant 3 : i32
    %add3A_92 = arith.addi %add3A_90, %add3A_91 : i32
    %dma_start3A_93 = arith.constant 150 : i32
    %dma_start3A_94 = arith.constant 0 : i32
    %dma_start3A_95 = tpu.memref_slice %arg6[%dma_start3A_93, %dma_start3A_94] : memref<1200x64xf32, #tpu.memory_space<vmem>> -> memref<50x64xf32, #tpu.memory_space<vmem>>
    %dma_start3A_96 = arith.constant 0 : i32
    %dma_start3A_97 = arith.constant 0 : i32
    %dma_start3A_98 = tpu.memref_slice %arg4[%add3A_92, %dma_start3A_96, %dma_start3A_97] : memref<16384x56x128xf32, #tpu.memory_space<hbm>> -> memref<1x50x64xf32, #tpu.memory_space<hbm>>
    %dma_start3A_99 = tpu.memref_squeeze %dma_start3A_98 : memref<1x50x64xf32, #tpu.memory_space<hbm>> -> memref<50x64xf32, #tpu.memory_space<hbm>>
    %dma_start3A_100 = arith.constant 0 : i32
    %dma_start3A_101 = arith.constant 0 : i32
    %dma_start3A_102 = tpu.memref_slice %arg4[%add3A_92, %dma_start3A_100, %dma_start3A_101] : memref<16384x56x128xf32, #tpu.memory_space<hbm>> -> memref<1x50x64xf32, #tpu.memory_space<hbm>>
    %dma_start3A_103 = tpu.memref_squeeze %dma_start3A_102 : memref<1x50x64xf32, #tpu.memory_space<hbm>> -> memref<50x64xf32, #tpu.memory_space<hbm>>
    %dma_start3A_104 = arith.constant 150 : i32
    %dma_start3A_105 = arith.constant 0 : i32
    %dma_start3A_106 = tpu.memref_slice %arg6[%dma_start3A_104, %dma_start3A_105] : memref<1200x64xf32, #tpu.memory_space<vmem>> -> memref<50x64xf32, #tpu.memory_space<vmem>>
    tpu.enqueue_dma source(%dma_start3A_106 : memref<50x64xf32, #tpu.memory_space<vmem>>) target(%dma_start3A_103 : memref<50x64xf32, #tpu.memory_space<hbm>>) target_semaphore(%arg8 : memref<!tpu.dma_semaphore, #tpu.memory_space<semaphore_mem>>)
    %add3A_107 = arith.constant 0 : i32
    %add3A_108 = arith.addi %mul3A_2, %add3A_107 : i32
    %add3A_109 = arith.constant 4 : i32
    %add3A_110 = arith.addi %add3A_108, %add3A_109 : i32
    %dma_start3A_111 = arith.constant 200 : i32
    %dma_start3A_112 = arith.constant 0 : i32
    %dma_start3A_113 = tpu.memref_slice %arg6[%dma_start3A_111, %dma_start3A_112] : memref<1200x64xf32, #tpu.memory_space<vmem>> -> memref<50x64xf32, #tpu.memory_space<vmem>>
    %dma_start3A_114 = arith.constant 0 : i32
    %dma_start3A_115 = arith.constant 0 : i32
    %dma_start3A_116 = tpu.memref_slice %arg4[%add3A_110, %dma_start3A_114, %dma_start3A_115] : memref<16384x56x128xf32, #tpu.memory_space<hbm>> -> memref<1x50x64xf32, #tpu.memory_space<hbm>>
    %dma_start3A_117 = tpu.memref_squeeze %dma_start3A_116 : memref<1x50x64xf32, #tpu.memory_space<hbm>> -> memref<50x64xf32, #tpu.memory_space<hbm>>
    %dma_start3A_118 = arith.constant 0 : i32
    %dma_start3A_119 = arith.constant 0 : i32
    %dma_start3A_120 = tpu.memref_slice %arg4[%add3A_110, %dma_start3A_118, %dma_start3A_119] : memref<16384x56x128xf32, #tpu.memory_space<hbm>> -> memref<1x50x64xf32, #tpu.memory_space<hbm>>
    %dma_start3A_121 = tpu.memref_squeeze %dma_start3A_120 : memref<1x50x64xf32, #tpu.memory_space<hbm>> -> memref<50x64xf32, #tpu.memory_space<hbm>>
    %dma_start3A_122 = arith.constant 200 : i32
    %dma_start3A_123 = arith.constant 0 : i32
    %dma_start3A_124 = tpu.memref_slice %arg6[%dma_start3A_122, %dma_start3A_123] : memref<1200x64xf32, #tpu.memory_space<vmem>> -> memref<50x64xf32, #tpu.memory_space<vmem>>
    tpu.enqueue_dma source(%dma_start3A_124 : memref<50x64xf32, #tpu.memory_space<vmem>>) target(%dma_start3A_121 : memref<50x64xf32, #tpu.memory_space<hbm>>) target_semaphore(%arg8 : memref<!tpu.dma_semaphore, #tpu.memory_space<semaphore_mem>>)
    %add3A_125 = arith.constant 0 : i32
    %add3A_126 = arith.addi %mul3A_2, %add3A_125 : i32
    %add3A_127 = arith.constant 5 : i32
    %add3A_128 = arith.addi %add3A_126, %add3A_127 : i32
    %dma_start3A_129 = arith.constant 250 : i32
    %dma_start3A_130 = arith.constant 0 : i32
    %dma_start3A_131 = tpu.memref_slice %arg6[%dma_start3A_129, %dma_start3A_130] : memref<1200x64xf32, #tpu.memory_space<vmem>> -> memref<50x64xf32, #tpu.memory_space<vmem>>
    %dma_start3A_132 = arith.constant 0 : i32
    %dma_start3A_133 = arith.constant 0 : i32
    %dma_start3A_134 = tpu.memref_slice %arg4[%add3A_128, %dma_start3A_132, %dma_start3A_133] : memref<16384x56x128xf32, #tpu.memory_space<hbm>> -> memref<1x50x64xf32, #tpu.memory_space<hbm>>
    %dma_start3A_135 = tpu.memref_squeeze %dma_start3A_134 : memref<1x50x64xf32, #tpu.memory_space<hbm>> -> memref<50x64xf32, #tpu.memory_space<hbm>>
    %dma_start3A_136 = arith.constant 0 : i32
    %dma_start3A_137 = arith.constant 0 : i32
    %dma_start3A_138 = tpu.memref_slice %arg4[%add3A_128, %dma_start3A_136, %dma_start3A_137] : memref<16384x56x128xf32, #tpu.memory_space<hbm>> -> memref<1x50x64xf32, #tpu.memory_space<hbm>>
    %dma_start3A_139 = tpu.memref_squeeze %dma_start3A_138 : memref<1x50x64xf32, #tpu.memory_space<hbm>> -> memref<50x64xf32, #tpu.memory_space<hbm>>
    %dma_start3A_140 = arith.constant 250 : i32
    %dma_start3A_141 = arith.constant 0 : i32
    %dma_start3A_142 = tpu.memref_slice %arg6[%dma_start3A_140, %dma_start3A_141] : memref<1200x64xf32, #tpu.memory_space<vmem>> -> memref<50x64xf32, #tpu.memory_space<vmem>>
    tpu.enqueue_dma source(%dma_start3A_142 : memref<50x64xf32, #tpu.memory_space<vmem>>) target(%dma_start3A_139 : memref<50x64xf32, #tpu.memory_space<hbm>>) target_semaphore(%arg8 : memref<!tpu.dma_semaphore, #tpu.memory_space<semaphore_mem>>)
    %add3A_143 = arith.constant 0 : i32
    %add3A_144 = arith.addi %mul3A_2, %add3A_143 : i32
    %add3A_145 = arith.constant 6 : i32
    %add3A_146 = arith.addi %add3A_144, %add3A_145 : i32
    %dma_start3A_147 = arith.constant 300 : i32
    %dma_start3A_148 = arith.constant 0 : i32
    %dma_start3A_149 = tpu.memref_slice %arg6[%dma_start3A_147, %dma_start3A_148] : memref<1200x64xf32, #tpu.memory_space<vmem>> -> memref<50x64xf32, #tpu.memory_space<vmem>>
    %dma_start3A_150 = arith.constant 0 : i32
    %dma_start3A_151 = arith.constant 0 : i32
    %dma_start3A_152 = tpu.memref_slice %arg4[%add3A_146, %dma_start3A_150, %dma_start3A_151] : memref<16384x56x128xf32, #tpu.memory_space<hbm>> -> memref<1x50x64xf32, #tpu.memory_space<hbm>>
    %dma_start3A_153 = tpu.memref_squeeze %dma_start3A_152 : memref<1x50x64xf32, #tpu.memory_space<hbm>> -> memref<50x64xf32, #tpu.memory_space<hbm>>
    %dma_start3A_154 = arith.constant 0 : i32
    %dma_start3A_155 = arith.constant 0 : i32
    %dma_start3A_156 = tpu.memref_slice %arg4[%add3A_146, %dma_start3A_154, %dma_start3A_155] : memref<16384x56x128xf32, #tpu.memory_space<hbm>> -> memref<1x50x64xf32, #tpu.memory_space<hbm>>
    %dma_start3A_157 = tpu.memref_squeeze %dma_start3A_156 : memref<1x50x64xf32, #tpu.memory_space<hbm>> -> memref<50x64xf32, #tpu.memory_space<hbm>>
    %dma_start3A_158 = arith.constant 300 : i32
    %dma_start3A_159 = arith.constant 0 : i32
    %dma_start3A_160 = tpu.memref_slice %arg6[%dma_start3A_158, %dma_start3A_159] : memref<1200x64xf32, #tpu.memory_space<vmem>> -> memref<50x64xf32, #tpu.memory_space<vmem>>
    tpu.enqueue_dma source(%dma_start3A_160 : memref<50x64xf32, #tpu.memory_space<vmem>>) target(%dma_start3A_157 : memref<50x64xf32, #tpu.memory_space<hbm>>) target_semaphore(%arg8 : memref<!tpu.dma_semaphore, #tpu.memory_space<semaphore_mem>>)
    %add3A_161 = arith.constant 0 : i32
    %add3A_162 = arith.addi %mul3A_2, %add3A_161 : i32
    %add3A_163 = arith.constant 7 : i32
    %add3A_164 = arith.addi %add3A_162, %add3A_163 : i32
    %dma_start3A_165 = arith.constant 350 : i32
    %dma_start3A_166 = arith.constant 0 : i32
    %dma_start3A_167 = tpu.memref_slice %arg6[%dma_start3A_165, %dma_start3A_166] : memref<1200x64xf32, #tpu.memory_space<vmem>> -> memref<50x64xf32, #tpu.memory_space<vmem>>
    %dma_start3A_168 = arith.constant 0 : i32
    %dma_start3A_169 = arith.constant 0 : i32
    %dma_start3A_170 = tpu.memref_slice %arg4[%add3A_164, %dma_start3A_168, %dma_start3A_169] : memref<16384x56x128xf32, #tpu.memory_space<hbm>> -> memref<1x50x64xf32, #tpu.memory_space<hbm>>
    %dma_start3A_171 = tpu.memref_squeeze %dma_start3A_170 : memref<1x50x64xf32, #tpu.memory_space<hbm>> -> memref<50x64xf32, #tpu.memory_space<hbm>>
    %dma_start3A_172 = arith.constant 0 : i32
    %dma_start3A_173 = arith.constant 0 : i32
    %dma_start3A_174 = tpu.memref_slice %arg4[%add3A_164, %dma_start3A_172, %dma_start3A_173] : memref<16384x56x128xf32, #tpu.memory_space<hbm>> -> memref<1x50x64xf32, #tpu.memory_space<hbm>>
    %dma_start3A_175 = tpu.memref_squeeze %dma_start3A_174 : memref<1x50x64xf32, #tpu.memory_space<hbm>> -> memref<50x64xf32, #tpu.memory_space<hbm>>
    %dma_start3A_176 = arith.constant 350 : i32
    %dma_start3A_177 = arith.constant 0 : i32
    %dma_start3A_178 = tpu.memref_slice %arg6[%dma_start3A_176, %dma_start3A_177] : memref<1200x64xf32, #tpu.memory_space<vmem>> -> memref<50x64xf32, #tpu.memory_space<vmem>>
    tpu.enqueue_dma source(%dma_start3A_178 : memref<50x64xf32, #tpu.memory_space<vmem>>) target(%dma_start3A_175 : memref<50x64xf32, #tpu.memory_space<hbm>>) target_semaphore(%arg8 : memref<!tpu.dma_semaphore, #tpu.memory_space<semaphore_mem>>)
    %scan3A = arith.constant 0 : i32
    %scan3A_179 = arith.constant 61 : i32
    %scan3A_180 = arith.addi %scan3A, %scan3A_179 : i32
    %scan3A_181 = arith.constant 1 : i32
    scf.for %scan3A_919 = %scan3A to %scan3A_180 step %scan3A_181  : i32 {
      %mul3A_920 = arith.constant 1 : i32
      %mul3A_921 = arith.muli %scan3A_919, %mul3A_920 : i32
      %add3A_922 = arith.constant 1 : i32
      %add3A_923 = arith.addi %add3A_922, %mul3A_921 : i32
      %mul3A_924 = arith.constant 400 : i32
      %mul3A_925 = arith.muli %add3A_923, %mul3A_924 : i32
      %jit3A = arith.constant 3 : i32
      %eq3A = arith.constant 0 : i32
      %eq3A_926 = arith.cmpi eq, %jit3A, %eq3A : i32
      %jit3A_927 = arith.constant 1 : i32
      %select_n3A = arith.select %eq3A_926, %jit3A_927, %jit3A : i32
      %rem3A = arith.remsi %add3A_923, %select_n3A : i32
      %ne3A = arith.constant 0 : i32
      %ne3A_928 = arith.cmpi ne, %rem3A, %ne3A : i32
      %lt3A = arith.constant 0 : i32
      %lt3A_929 = arith.cmpi slt, %rem3A, %lt3A : i32
      %lt3A_930 = arith.constant 0 : i32
      %lt3A_931 = arith.cmpi slt, %select_n3A, %lt3A_930 : i32
      %ne3A_932 = arith.xori %lt3A_929, %lt3A_931 : i1
      %and3A = arith.andi %ne3A_932, %ne3A_928 : i1
      %add3A_933 = arith.addi %rem3A, %select_n3A : i32
      %select_n3A_934 = arith.select %and3A, %add3A_933, %rem3A : i32
      %mul3A_935 = arith.constant 400 : i32
      %mul3A_936 = arith.muli %select_n3A_934, %mul3A_935 : i32
      %dma_wait3A_937 = arith.constant 0 : i32
      %dma_wait3A_938 = tpu.memref_slice %arg6[%mul3A_936, %dma_wait3A_937] : memref<1200x64xf32, #tpu.memory_space<vmem>> -> memref<400x64xf32, #tpu.memory_space<vmem>>
      %dma_wait3A_939 = tpu.memref_slice %arg5[%mul3A_925] : memref<25600xi32, #tpu.memory_space<vmem>> -> memref<400xi32, #tpu.memory_space<vmem>>
      %dma_wait3A_940 = arith.constant 0 : i32
      %dma_wait3A_941 = arith.constant 0 : i32
      %dma_wait3A_942 = tpu.memref_slice %arg3[%dma_wait3A_940, %dma_wait3A_941] : memref<1000000x64xf32, #tpu.memory_space<hbm>> -> memref<1000000x64xf32, #tpu.memory_space<hbm>>
      tpu.wait_indirect_dma semaphore(%arg7 : memref<!tpu.dma_semaphore, #tpu.memory_space<semaphore_mem>>) src(%dma_wait3A_942 : memref<1000000x64xf32, #tpu.memory_space<hbm>>) dst(%dma_wait3A_938 : memref<400x64xf32, #tpu.memory_space<vmem>>)
      %sub3A = arith.constant 1 : i32
      %sub3A_943 = arith.subi %add3A_923, %sub3A : i32
      %jit3A_944 = arith.constant 3 : i32
      %eq3A_945 = arith.constant 0 : i32
      %eq3A_946 = arith.cmpi eq, %jit3A_944, %eq3A_945 : i32
      %jit3A_947 = arith.constant 1 : i32
      %select_n3A_948 = arith.select %eq3A_946, %jit3A_947, %jit3A_944 : i32
      %rem3A_949 = arith.remsi %sub3A_943, %select_n3A_948 : i32
      %ne3A_950 = arith.constant 0 : i32
      %ne3A_951 = arith.cmpi ne, %rem3A_949, %ne3A_950 : i32
      %lt3A_952 = arith.constant 0 : i32
      %lt3A_953 = arith.cmpi slt, %rem3A_949, %lt3A_952 : i32
      %lt3A_954 = arith.constant 0 : i32
      %lt3A_955 = arith.cmpi slt, %select_n3A_948, %lt3A_954 : i32
      %ne3A_956 = arith.xori %lt3A_953, %lt3A_955 : i1
      %and3A_957 = arith.andi %ne3A_956, %ne3A_951 : i1
      %add3A_958 = arith.addi %rem3A_949, %select_n3A_948 : i32
      %select_n3A_959 = arith.select %and3A_957, %add3A_958, %rem3A_949 : i32
      %mul3A_960 = arith.constant 400 : i32
      %mul3A_961 = arith.muli %select_n3A_959, %mul3A_960 : i32
      %add3A_962 = arith.constant 0 : i32
      %add3A_963 = arith.addi %mul3A_961, %add3A_962 : i32
      %mul3A_964 = arith.constant 8 : i32
      %mul3A_965 = arith.muli %sub3A_943, %mul3A_964 : i32
      %add3A_966 = arith.addi %mul3A_2, %mul3A_965 : i32
      %add3A_967 = arith.constant 0 : i32
      %add3A_968 = arith.addi %add3A_966, %add3A_967 : i32
      %dma_wait3A_969 = arith.constant 0 : i32
      %dma_wait3A_970 = tpu.memref_slice %arg6[%add3A_963, %dma_wait3A_969] : memref<1200x64xf32, #tpu.memory_space<vmem>> -> memref<50x64xf32, #tpu.memory_space<vmem>>
      %dma_wait3A_971 = arith.constant 0 : i32
      %dma_wait3A_972 = arith.constant 0 : i32
      %dma_wait3A_973 = tpu.memref_slice %arg4[%add3A_968, %dma_wait3A_971, %dma_wait3A_972] : memref<16384x56x128xf32, #tpu.memory_space<hbm>> -> memref<1x50x64xf32, #tpu.memory_space<hbm>>
      %dma_wait3A_974 = tpu.memref_squeeze %dma_wait3A_973 : memref<1x50x64xf32, #tpu.memory_space<hbm>> -> memref<50x64xf32, #tpu.memory_space<hbm>>
      %dma_wait3A_975 = arith.constant 0 : i32
      %dma_wait3A_976 = arith.constant 0 : i32
      %dma_wait3A_977 = tpu.memref_slice %arg4[%add3A_968, %dma_wait3A_975, %dma_wait3A_976] : memref<16384x56x128xf32, #tpu.memory_space<hbm>> -> memref<1x50x64xf32, #tpu.memory_space<hbm>>
      %dma_wait3A_978 = tpu.memref_squeeze %dma_wait3A_977 : memref<1x50x64xf32, #tpu.memory_space<hbm>> -> memref<50x64xf32, #tpu.memory_space<hbm>>
      %dma_wait3A_979 = arith.constant 0 : i32
      %dma_wait3A_980 = tpu.memref_slice %arg6[%add3A_963, %dma_wait3A_979] : memref<1200x64xf32, #tpu.memory_space<vmem>> -> memref<50x64xf32, #tpu.memory_space<vmem>>
      tpu.wait_dma2 semaphore(%arg8 : memref<!tpu.dma_semaphore, #tpu.memory_space<semaphore_mem>>) src(%dma_wait3A_980 : memref<50x64xf32, #tpu.memory_space<vmem>>) dst(%dma_wait3A_978 : memref<50x64xf32, #tpu.memory_space<hbm>>)
      %add3A_981 = arith.constant 50 : i32
      %add3A_982 = arith.addi %mul3A_961, %add3A_981 : i32
      %mul3A_983 = arith.constant 8 : i32
      %mul3A_984 = arith.muli %sub3A_943, %mul3A_983 : i32
      %add3A_985 = arith.addi %mul3A_2, %mul3A_984 : i32
      %add3A_986 = arith.constant 1 : i32
      %add3A_987 = arith.addi %add3A_985, %add3A_986 : i32
      %dma_wait3A_988 = arith.constant 0 : i32
      %dma_wait3A_989 = tpu.memref_slice %arg6[%add3A_982, %dma_wait3A_988] : memref<1200x64xf32, #tpu.memory_space<vmem>> -> memref<50x64xf32, #tpu.memory_space<vmem>>
      %dma_wait3A_990 = arith.constant 0 : i32
      %dma_wait3A_991 = arith.constant 0 : i32
      %dma_wait3A_992 = tpu.memref_slice %arg4[%add3A_987, %dma_wait3A_990, %dma_wait3A_991] : memref<16384x56x128xf32, #tpu.memory_space<hbm>> -> memref<1x50x64xf32, #tpu.memory_space<hbm>>
      %dma_wait3A_993 = tpu.memref_squeeze %dma_wait3A_992 : memref<1x50x64xf32, #tpu.memory_space<hbm>> -> memref<50x64xf32, #tpu.memory_space<hbm>>
      %dma_wait3A_994 = arith.constant 0 : i32
      %dma_wait3A_995 = arith.constant 0 : i32
      %dma_wait3A_996 = tpu.memref_slice %arg4[%add3A_987, %dma_wait3A_994, %dma_wait3A_995] : memref<16384x56x128xf32, #tpu.memory_space<hbm>> -> memref<1x50x64xf32, #tpu.memory_space<hbm>>
      %dma_wait3A_997 = tpu.memref_squeeze %dma_wait3A_996 : memref<1x50x64xf32, #tpu.memory_space<hbm>> -> memref<50x64xf32, #tpu.memory_space<hbm>>
      %dma_wait3A_998 = arith.constant 0 : i32
      %dma_wait3A_999 = tpu.memref_slice %arg6[%add3A_982, %dma_wait3A_998] : memref<1200x64xf32, #tpu.memory_space<vmem>> -> memref<50x64xf32, #tpu.memory_space<vmem>>
      tpu.wait_dma2 semaphore(%arg8 : memref<!tpu.dma_semaphore, #tpu.memory_space<semaphore_mem>>) src(%dma_wait3A_999 : memref<50x64xf32, #tpu.memory_space<vmem>>) dst(%dma_wait3A_997 : memref<50x64xf32, #tpu.memory_space<hbm>>)
      %add3A_1000 = arith.constant 100 : i32
      %add3A_1001 = arith.addi %mul3A_961, %add3A_1000 : i32
      %mul3A_1002 = arith.constant 8 : i32
      %mul3A_1003 = arith.muli %sub3A_943, %mul3A_1002 : i32
      %add3A_1004 = arith.addi %mul3A_2, %mul3A_1003 : i32
      %add3A_1005 = arith.constant 2 : i32
      %add3A_1006 = arith.addi %add3A_1004, %add3A_1005 : i32
      %dma_wait3A_1007 = arith.constant 0 : i32
      %dma_wait3A_1008 = tpu.memref_slice %arg6[%add3A_1001, %dma_wait3A_1007] : memref<1200x64xf32, #tpu.memory_space<vmem>> -> memref<50x64xf32, #tpu.memory_space<vmem>>
      %dma_wait3A_1009 = arith.constant 0 : i32
      %dma_wait3A_1010 = arith.constant 0 : i32
      %dma_wait3A_1011 = tpu.memref_slice %arg4[%add3A_1006, %dma_wait3A_1009, %dma_wait3A_1010] : memref<16384x56x128xf32, #tpu.memory_space<hbm>> -> memref<1x50x64xf32, #tpu.memory_space<hbm>>
      %dma_wait3A_1012 = tpu.memref_squeeze %dma_wait3A_1011 : memref<1x50x64xf32, #tpu.memory_space<hbm>> -> memref<50x64xf32, #tpu.memory_space<hbm>>
      %dma_wait3A_1013 = arith.constant 0 : i32
      %dma_wait3A_1014 = arith.constant 0 : i32
      %dma_wait3A_1015 = tpu.memref_slice %arg4[%add3A_1006, %dma_wait3A_1013, %dma_wait3A_1014] : memref<16384x56x128xf32, #tpu.memory_space<hbm>> -> memref<1x50x64xf32, #tpu.memory_space<hbm>>
      %dma_wait3A_1016 = tpu.memref_squeeze %dma_wait3A_1015 : memref<1x50x64xf32, #tpu.memory_space<hbm>> -> memref<50x64xf32, #tpu.memory_space<hbm>>
      %dma_wait3A_1017 = arith.constant 0 : i32
      %dma_wait3A_1018 = tpu.memref_slice %arg6[%add3A_1001, %dma_wait3A_1017] : memref<1200x64xf32, #tpu.memory_space<vmem>> -> memref<50x64xf32, #tpu.memory_space<vmem>>
      tpu.wait_dma2 semaphore(%arg8 : memref<!tpu.dma_semaphore, #tpu.memory_space<semaphore_mem>>) src(%dma_wait3A_1018 : memref<50x64xf32, #tpu.memory_space<vmem>>) dst(%dma_wait3A_1016 : memref<50x64xf32, #tpu.memory_space<hbm>>)
      %add3A_1019 = arith.constant 150 : i32
      %add3A_1020 = arith.addi %mul3A_961, %add3A_1019 : i32
      %mul3A_1021 = arith.constant 8 : i32
      %mul3A_1022 = arith.muli %sub3A_943, %mul3A_1021 : i32
      %add3A_1023 = arith.addi %mul3A_2, %mul3A_1022 : i32
      %add3A_1024 = arith.constant 3 : i32
      %add3A_1025 = arith.addi %add3A_1023, %add3A_1024 : i32
      %dma_wait3A_1026 = arith.constant 0 : i32
      %dma_wait3A_1027 = tpu.memref_slice %arg6[%add3A_1020, %dma_wait3A_1026] : memref<1200x64xf32, #tpu.memory_space<vmem>> -> memref<50x64xf32, #tpu.memory_space<vmem>>
      %dma_wait3A_1028 = arith.constant 0 : i32
      %dma_wait3A_1029 = arith.constant 0 : i32
      %dma_wait3A_1030 = tpu.memref_slice %arg4[%add3A_1025, %dma_wait3A_1028, %dma_wait3A_1029] : memref<16384x56x128xf32, #tpu.memory_space<hbm>> -> memref<1x50x64xf32, #tpu.memory_space<hbm>>
      %dma_wait3A_1031 = tpu.memref_squeeze %dma_wait3A_1030 : memref<1x50x64xf32, #tpu.memory_space<hbm>> -> memref<50x64xf32, #tpu.memory_space<hbm>>
      %dma_wait3A_1032 = arith.constant 0 : i32
      %dma_wait3A_1033 = arith.constant 0 : i32
      %dma_wait3A_1034 = tpu.memref_slice %arg4[%add3A_1025, %dma_wait3A_1032, %dma_wait3A_1033] : memref<16384x56x128xf32, #tpu.memory_space<hbm>> -> memref<1x50x64xf32, #tpu.memory_space<hbm>>
      %dma_wait3A_1035 = tpu.memref_squeeze %dma_wait3A_1034 : memref<1x50x64xf32, #tpu.memory_space<hbm>> -> memref<50x64xf32, #tpu.memory_space<hbm>>
      %dma_wait3A_1036 = arith.constant 0 : i32
      %dma_wait3A_1037 = tpu.memref_slice %arg6[%add3A_1020, %dma_wait3A_1036] : memref<1200x64xf32, #tpu.memory_space<vmem>> -> memref<50x64xf32, #tpu.memory_space<vmem>>
      tpu.wait_dma2 semaphore(%arg8 : memref<!tpu.dma_semaphore, #tpu.memory_space<semaphore_mem>>) src(%dma_wait3A_1037 : memref<50x64xf32, #tpu.memory_space<vmem>>) dst(%dma_wait3A_1035 : memref<50x64xf32, #tpu.memory_space<hbm>>)
      %add3A_1038 = arith.constant 200 : i32
      %add3A_1039 = arith.addi %mul3A_961, %add3A_1038 : i32
      %mul3A_1040 = arith.constant 8 : i32
      %mul3A_1041 = arith.muli %sub3A_943, %mul3A_1040 : i32
      %add3A_1042 = arith.addi %mul3A_2, %mul3A_1041 : i32
      %add3A_1043 = arith.constant 4 : i32
      %add3A_1044 = arith.addi %add3A_1042, %add3A_1043 : i32
      %dma_wait3A_1045 = arith.constant 0 : i32
      %dma_wait3A_1046 = tpu.memref_slice %arg6[%add3A_1039, %dma_wait3A_1045] : memref<1200x64xf32, #tpu.memory_space<vmem>> -> memref<50x64xf32, #tpu.memory_space<vmem>>
      %dma_wait3A_1047 = arith.constant 0 : i32
      %dma_wait3A_1048 = arith.constant 0 : i32
      %dma_wait3A_1049 = tpu.memref_slice %arg4[%add3A_1044, %dma_wait3A_1047, %dma_wait3A_1048] : memref<16384x56x128xf32, #tpu.memory_space<hbm>> -> memref<1x50x64xf32, #tpu.memory_space<hbm>>
      %dma_wait3A_1050 = tpu.memref_squeeze %dma_wait3A_1049 : memref<1x50x64xf32, #tpu.memory_space<hbm>> -> memref<50x64xf32, #tpu.memory_space<hbm>>
      %dma_wait3A_1051 = arith.constant 0 : i32
      %dma_wait3A_1052 = arith.constant 0 : i32
      %dma_wait3A_1053 = tpu.memref_slice %arg4[%add3A_1044, %dma_wait3A_1051, %dma_wait3A_1052] : memref<16384x56x128xf32, #tpu.memory_space<hbm>> -> memref<1x50x64xf32, #tpu.memory_space<hbm>>
      %dma_wait3A_1054 = tpu.memref_squeeze %dma_wait3A_1053 : memref<1x50x64xf32, #tpu.memory_space<hbm>> -> memref<50x64xf32, #tpu.memory_space<hbm>>
      %dma_wait3A_1055 = arith.constant 0 : i32
      %dma_wait3A_1056 = tpu.memref_slice %arg6[%add3A_1039, %dma_wait3A_1055] : memref<1200x64xf32, #tpu.memory_space<vmem>> -> memref<50x64xf32, #tpu.memory_space<vmem>>
      tpu.wait_dma2 semaphore(%arg8 : memref<!tpu.dma_semaphore, #tpu.memory_space<semaphore_mem>>) src(%dma_wait3A_1056 : memref<50x64xf32, #tpu.memory_space<vmem>>) dst(%dma_wait3A_1054 : memref<50x64xf32, #tpu.memory_space<hbm>>)
      %add3A_1057 = arith.constant 250 : i32
      %add3A_1058 = arith.addi %mul3A_961, %add3A_1057 : i32
      %mul3A_1059 = arith.constant 8 : i32
      %mul3A_1060 = arith.muli %sub3A_943, %mul3A_1059 : i32
      %add3A_1061 = arith.addi %mul3A_2, %mul3A_1060 : i32
      %add3A_1062 = arith.constant 5 : i32
      %add3A_1063 = arith.addi %add3A_1061, %add3A_1062 : i32
      %dma_wait3A_1064 = arith.constant 0 : i32
      %dma_wait3A_1065 = tpu.memref_slice %arg6[%add3A_1058, %dma_wait3A_1064] : memref<1200x64xf32, #tpu.memory_space<vmem>> -> memref<50x64xf32, #tpu.memory_space<vmem>>
      %dma_wait3A_1066 = arith.constant 0 : i32
      %dma_wait3A_1067 = arith.constant 0 : i32
      %dma_wait3A_1068 = tpu.memref_slice %arg4[%add3A_1063, %dma_wait3A_1066, %dma_wait3A_1067] : memref<16384x56x128xf32, #tpu.memory_space<hbm>> -> memref<1x50x64xf32, #tpu.memory_space<hbm>>
      %dma_wait3A_1069 = tpu.memref_squeeze %dma_wait3A_1068 : memref<1x50x64xf32, #tpu.memory_space<hbm>> -> memref<50x64xf32, #tpu.memory_space<hbm>>
      %dma_wait3A_1070 = arith.constant 0 : i32
      %dma_wait3A_1071 = arith.constant 0 : i32
      %dma_wait3A_1072 = tpu.memref_slice %arg4[%add3A_1063, %dma_wait3A_1070, %dma_wait3A_1071] : memref<16384x56x128xf32, #tpu.memory_space<hbm>> -> memref<1x50x64xf32, #tpu.memory_space<hbm>>
      %dma_wait3A_1073 = tpu.memref_squeeze %dma_wait3A_1072 : memref<1x50x64xf32, #tpu.memory_space<hbm>> -> memref<50x64xf32, #tpu.memory_space<hbm>>
      %dma_wait3A_1074 = arith.constant 0 : i32
      %dma_wait3A_1075 = tpu.memref_slice %arg6[%add3A_1058, %dma_wait3A_1074] : memref<1200x64xf32, #tpu.memory_space<vmem>> -> memref<50x64xf32, #tpu.memory_space<vmem>>
      tpu.wait_dma2 semaphore(%arg8 : memref<!tpu.dma_semaphore, #tpu.memory_space<semaphore_mem>>) src(%dma_wait3A_1075 : memref<50x64xf32, #tpu.memory_space<vmem>>) dst(%dma_wait3A_1073 : memref<50x64xf32, #tpu.memory_space<hbm>>)
      %add3A_1076 = arith.constant 300 : i32
      %add3A_1077 = arith.addi %mul3A_961, %add3A_1076 : i32
      %mul3A_1078 = arith.constant 8 : i32
      %mul3A_1079 = arith.muli %sub3A_943, %mul3A_1078 : i32
      %add3A_1080 = arith.addi %mul3A_2, %mul3A_1079 : i32
      %add3A_1081 = arith.constant 6 : i32
      %add3A_1082 = arith.addi %add3A_1080, %add3A_1081 : i32
      %dma_wait3A_1083 = arith.constant 0 : i32
      %dma_wait3A_1084 = tpu.memref_slice %arg6[%add3A_1077, %dma_wait3A_1083] : memref<1200x64xf32, #tpu.memory_space<vmem>> -> memref<50x64xf32, #tpu.memory_space<vmem>>
      %dma_wait3A_1085 = arith.constant 0 : i32
      %dma_wait3A_1086 = arith.constant 0 : i32
      %dma_wait3A_1087 = tpu.memref_slice %arg4[%add3A_1082, %dma_wait3A_1085, %dma_wait3A_1086] : memref<16384x56x128xf32, #tpu.memory_space<hbm>> -> memref<1x50x64xf32, #tpu.memory_space<hbm>>
      %dma_wait3A_1088 = tpu.memref_squeeze %dma_wait3A_1087 : memref<1x50x64xf32, #tpu.memory_space<hbm>> -> memref<50x64xf32, #tpu.memory_space<hbm>>
      %dma_wait3A_1089 = arith.constant 0 : i32
      %dma_wait3A_1090 = arith.constant 0 : i32
      %dma_wait3A_1091 = tpu.memref_slice %arg4[%add3A_1082, %dma_wait3A_1089, %dma_wait3A_1090] : memref<16384x56x128xf32, #tpu.memory_space<hbm>> -> memref<1x50x64xf32, #tpu.memory_space<hbm>>
      %dma_wait3A_1092 = tpu.memref_squeeze %dma_wait3A_1091 : memref<1x50x64xf32, #tpu.memory_space<hbm>> -> memref<50x64xf32, #tpu.memory_space<hbm>>
      %dma_wait3A_1093 = arith.constant 0 : i32
      %dma_wait3A_1094 = tpu.memref_slice %arg6[%add3A_1077, %dma_wait3A_1093] : memref<1200x64xf32, #tpu.memory_space<vmem>> -> memref<50x64xf32, #tpu.memory_space<vmem>>
      tpu.wait_dma2 semaphore(%arg8 : memref<!tpu.dma_semaphore, #tpu.memory_space<semaphore_mem>>) src(%dma_wait3A_1094 : memref<50x64xf32, #tpu.memory_space<vmem>>) dst(%dma_wait3A_1092 : memref<50x64xf32, #tpu.memory_space<hbm>>)
      %add3A_1095 = arith.constant 350 : i32
      %add3A_1096 = arith.addi %mul3A_961, %add3A_1095 : i32
      %mul3A_1097 = arith.constant 8 : i32
      %mul3A_1098 = arith.muli %sub3A_943, %mul3A_1097 : i32
      %add3A_1099 = arith.addi %mul3A_2, %mul3A_1098 : i32
      %add3A_1100 = arith.constant 7 : i32
      %add3A_1101 = arith.addi %add3A_1099, %add3A_1100 : i32
      %dma_wait3A_1102 = arith.constant 0 : i32
      %dma_wait3A_1103 = tpu.memref_slice %arg6[%add3A_1096, %dma_wait3A_1102] : memref<1200x64xf32, #tpu.memory_space<vmem>> -> memref<50x64xf32, #tpu.memory_space<vmem>>
      %dma_wait3A_1104 = arith.constant 0 : i32
      %dma_wait3A_1105 = arith.constant 0 : i32
      %dma_wait3A_1106 = tpu.memref_slice %arg4[%add3A_1101, %dma_wait3A_1104, %dma_wait3A_1105] : memref<16384x56x128xf32, #tpu.memory_space<hbm>> -> memref<1x50x64xf32, #tpu.memory_space<hbm>>
      %dma_wait3A_1107 = tpu.memref_squeeze %dma_wait3A_1106 : memref<1x50x64xf32, #tpu.memory_space<hbm>> -> memref<50x64xf32, #tpu.memory_space<hbm>>
      %dma_wait3A_1108 = arith.constant 0 : i32
      %dma_wait3A_1109 = arith.constant 0 : i32
      %dma_wait3A_1110 = tpu.memref_slice %arg4[%add3A_1101, %dma_wait3A_1108, %dma_wait3A_1109] : memref<16384x56x128xf32, #tpu.memory_space<hbm>> -> memref<1x50x64xf32, #tpu.memory_space<hbm>>
      %dma_wait3A_1111 = tpu.memref_squeeze %dma_wait3A_1110 : memref<1x50x64xf32, #tpu.memory_space<hbm>> -> memref<50x64xf32, #tpu.memory_space<hbm>>
      %dma_wait3A_1112 = arith.constant 0 : i32
      %dma_wait3A_1113 = tpu.memref_slice %arg6[%add3A_1096, %dma_wait3A_1112] : memref<1200x64xf32, #tpu.memory_space<vmem>> -> memref<50x64xf32, #tpu.memory_space<vmem>>
      tpu.wait_dma2 semaphore(%arg8 : memref<!tpu.dma_semaphore, #tpu.memory_space<semaphore_mem>>) src(%dma_wait3A_1113 : memref<50x64xf32, #tpu.memory_space<vmem>>) dst(%dma_wait3A_1111 : memref<50x64xf32, #tpu.memory_space<hbm>>)
      %add3A_1114 = arith.constant 2 : i32
      %add3A_1115 = arith.addi %add3A_923, %add3A_1114 : i32
      %mul3A_1116 = arith.constant 400 : i32
      %mul3A_1117 = arith.muli %add3A_1115, %mul3A_1116 : i32
      %jit3A_1118 = arith.constant 3 : i32
      %eq3A_1119 = arith.constant 0 : i32
      %eq3A_1120 = arith.cmpi eq, %jit3A_1118, %eq3A_1119 : i32
      %jit3A_1121 = arith.constant 1 : i32
      %select_n3A_1122 = arith.select %eq3A_1120, %jit3A_1121, %jit3A_1118 : i32
      %rem3A_1123 = arith.remsi %add3A_1115, %select_n3A_1122 : i32
      %ne3A_1124 = arith.constant 0 : i32
      %ne3A_1125 = arith.cmpi ne, %rem3A_1123, %ne3A_1124 : i32
      %lt3A_1126 = arith.constant 0 : i32
      %lt3A_1127 = arith.cmpi slt, %rem3A_1123, %lt3A_1126 : i32
      %lt3A_1128 = arith.constant 0 : i32
      %lt3A_1129 = arith.cmpi slt, %select_n3A_1122, %lt3A_1128 : i32
      %ne3A_1130 = arith.xori %lt3A_1127, %lt3A_1129 : i1
      %and3A_1131 = arith.andi %ne3A_1130, %ne3A_1125 : i1
      %add3A_1132 = arith.addi %rem3A_1123, %select_n3A_1122 : i32
      %select_n3A_1133 = arith.select %and3A_1131, %add3A_1132, %rem3A_1123 : i32
      %mul3A_1134 = arith.constant 400 : i32
      %mul3A_1135 = arith.muli %select_n3A_1133, %mul3A_1134 : i32
      %dma_start3A_1136 = arith.constant 0 : i32
      %dma_start3A_1137 = tpu.memref_slice %arg6[%mul3A_1135, %dma_start3A_1136] : memref<1200x64xf32, #tpu.memory_space<vmem>> -> memref<400x64xf32, #tpu.memory_space<vmem>>
      %dma_start3A_1138 = tpu.memref_slice %arg5[%mul3A_1117] : memref<25600xi32, #tpu.memory_space<vmem>> -> memref<400xi32, #tpu.memory_space<vmem>>
      %dma_start3A_1139 = arith.constant 0 : i32
      %dma_start3A_1140 = arith.constant 0 : i32
      %dma_start3A_1141 = tpu.memref_slice %arg3[%dma_start3A_1139, %dma_start3A_1140] : memref<1000000x64xf32, #tpu.memory_space<hbm>> -> memref<1000000x64xf32, #tpu.memory_space<hbm>>
      tpu.enqueue_indirect_dma source(%dma_start3A_1141 : memref<1000000x64xf32, #tpu.memory_space<hbm>>) target(%dma_start3A_1137 : memref<400x64xf32, #tpu.memory_space<vmem>>) offsets(%dma_start3A_1138 : memref<400xi32, #tpu.memory_space<vmem>>) semaphore(%arg7 : memref<!tpu.dma_semaphore, #tpu.memory_space<semaphore_mem>>)
      %jit3A_1142 = arith.constant 3 : i32
      %eq3A_1143 = arith.constant 0 : i32
      %eq3A_1144 = arith.cmpi eq, %jit3A_1142, %eq3A_1143 : i32
      %jit3A_1145 = arith.constant 1 : i32
      %select_n3A_1146 = arith.select %eq3A_1144, %jit3A_1145, %jit3A_1142 : i32
      %rem3A_1147 = arith.remsi %add3A_923, %select_n3A_1146 : i32
      %ne3A_1148 = arith.constant 0 : i32
      %ne3A_1149 = arith.cmpi ne, %rem3A_1147, %ne3A_1148 : i32
      %lt3A_1150 = arith.constant 0 : i32
      %lt3A_1151 = arith.cmpi slt, %rem3A_1147, %lt3A_1150 : i32
      %lt3A_1152 = arith.constant 0 : i32
      %lt3A_1153 = arith.cmpi slt, %select_n3A_1146, %lt3A_1152 : i32
      %ne3A_1154 = arith.xori %lt3A_1151, %lt3A_1153 : i1
      %and3A_1155 = arith.andi %ne3A_1154, %ne3A_1149 : i1
      %add3A_1156 = arith.addi %rem3A_1147, %select_n3A_1146 : i32
      %select_n3A_1157 = arith.select %and3A_1155, %add3A_1156, %rem3A_1147 : i32
      %mul3A_1158 = arith.constant 400 : i32
      %mul3A_1159 = arith.muli %select_n3A_1157, %mul3A_1158 : i32
      %add3A_1160 = arith.constant 0 : i32
      %add3A_1161 = arith.addi %mul3A_1159, %add3A_1160 : i32
      %mul3A_1162 = arith.constant 8 : i32
      %mul3A_1163 = arith.muli %add3A_923, %mul3A_1162 : i32
      %add3A_1164 = arith.addi %mul3A_2, %mul3A_1163 : i32
      %add3A_1165 = arith.constant 0 : i32
      %add3A_1166 = arith.addi %add3A_1164, %add3A_1165 : i32
      %dma_start3A_1167 = arith.constant 0 : i32
      %dma_start3A_1168 = tpu.memref_slice %arg6[%add3A_1161, %dma_start3A_1167] : memref<1200x64xf32, #tpu.memory_space<vmem>> -> memref<50x64xf32, #tpu.memory_space<vmem>>
      %dma_start3A_1169 = arith.constant 0 : i32
      %dma_start3A_1170 = arith.constant 0 : i32
      %dma_start3A_1171 = tpu.memref_slice %arg4[%add3A_1166, %dma_start3A_1169, %dma_start3A_1170] : memref<16384x56x128xf32, #tpu.memory_space<hbm>> -> memref<1x50x64xf32, #tpu.memory_space<hbm>>
      %dma_start3A_1172 = tpu.memref_squeeze %dma_start3A_1171 : memref<1x50x64xf32, #tpu.memory_space<hbm>> -> memref<50x64xf32, #tpu.memory_space<hbm>>
      %dma_start3A_1173 = arith.constant 0 : i32
      %dma_start3A_1174 = arith.constant 0 : i32
      %dma_start3A_1175 = tpu.memref_slice %arg4[%add3A_1166, %dma_start3A_1173, %dma_start3A_1174] : memref<16384x56x128xf32, #tpu.memory_space<hbm>> -> memref<1x50x64xf32, #tpu.memory_space<hbm>>
      %dma_start3A_1176 = tpu.memref_squeeze %dma_start3A_1175 : memref<1x50x64xf32, #tpu.memory_space<hbm>> -> memref<50x64xf32, #tpu.memory_space<hbm>>
      %dma_start3A_1177 = arith.constant 0 : i32
      %dma_start3A_1178 = tpu.memref_slice %arg6[%add3A_1161, %dma_start3A_1177] : memref<1200x64xf32, #tpu.memory_space<vmem>> -> memref<50x64xf32, #tpu.memory_space<vmem>>
      tpu.enqueue_dma source(%dma_start3A_1178 : memref<50x64xf32, #tpu.memory_space<vmem>>) target(%dma_start3A_1176 : memref<50x64xf32, #tpu.memory_space<hbm>>) target_semaphore(%arg8 : memref<!tpu.dma_semaphore, #tpu.memory_space<semaphore_mem>>)
      %add3A_1179 = arith.constant 50 : i32
      %add3A_1180 = arith.addi %mul3A_1159, %add3A_1179 : i32
      %mul3A_1181 = arith.constant 8 : i32
      %mul3A_1182 = arith.muli %add3A_923, %mul3A_1181 : i32
      %add3A_1183 = arith.addi %mul3A_2, %mul3A_1182 : i32
      %add3A_1184 = arith.constant 1 : i32
      %add3A_1185 = arith.addi %add3A_1183, %add3A_1184 : i32
      %dma_start3A_1186 = arith.constant 0 : i32
      %dma_start3A_1187 = tpu.memref_slice %arg6[%add3A_1180, %dma_start3A_1186] : memref<1200x64xf32, #tpu.memory_space<vmem>> -> memref<50x64xf32, #tpu.memory_space<vmem>>
      %dma_start3A_1188 = arith.constant 0 : i32
      %dma_start3A_1189 = arith.constant 0 : i32
      %dma_start3A_1190 = tpu.memref_slice %arg4[%add3A_1185, %dma_start3A_1188, %dma_start3A_1189] : memref<16384x56x128xf32, #tpu.memory_space<hbm>> -> memref<1x50x64xf32, #tpu.memory_space<hbm>>
      %dma_start3A_1191 = tpu.memref_squeeze %dma_start3A_1190 : memref<1x50x64xf32, #tpu.memory_space<hbm>> -> memref<50x64xf32, #tpu.memory_space<hbm>>
      %dma_start3A_1192 = arith.constant 0 : i32
      %dma_start3A_1193 = arith.constant 0 : i32
      %dma_start3A_1194 = tpu.memref_slice %arg4[%add3A_1185, %dma_start3A_1192, %dma_start3A_1193] : memref<16384x56x128xf32, #tpu.memory_space<hbm>> -> memref<1x50x64xf32, #tpu.memory_space<hbm>>
      %dma_start3A_1195 = tpu.memref_squeeze %dma_start3A_1194 : memref<1x50x64xf32, #tpu.memory_space<hbm>> -> memref<50x64xf32, #tpu.memory_space<hbm>>
      %dma_start3A_1196 = arith.constant 0 : i32
      %dma_start3A_1197 = tpu.memref_slice %arg6[%add3A_1180, %dma_start3A_1196] : memref<1200x64xf32, #tpu.memory_space<vmem>> -> memref<50x64xf32, #tpu.memory_space<vmem>>
      tpu.enqueue_dma source(%dma_start3A_1197 : memref<50x64xf32, #tpu.memory_space<vmem>>) target(%dma_start3A_1195 : memref<50x64xf32, #tpu.memory_space<hbm>>) target_semaphore(%arg8 : memref<!tpu.dma_semaphore, #tpu.memory_space<semaphore_mem>>)
      %add3A_1198 = arith.constant 100 : i32
      %add3A_1199 = arith.addi %mul3A_1159, %add3A_1198 : i32
      %mul3A_1200 = arith.constant 8 : i32
      %mul3A_1201 = arith.muli %add3A_923, %mul3A_1200 : i32
      %add3A_1202 = arith.addi %mul3A_2, %mul3A_1201 : i32
      %add3A_1203 = arith.constant 2 : i32
      %add3A_1204 = arith.addi %add3A_1202, %add3A_1203 : i32
      %dma_start3A_1205 = arith.constant 0 : i32
      %dma_start3A_1206 = tpu.memref_slice %arg6[%add3A_1199, %dma_start3A_1205] : memref<1200x64xf32, #tpu.memory_space<vmem>> -> memref<50x64xf32, #tpu.memory_space<vmem>>
      %dma_start3A_1207 = arith.constant 0 : i32
      %dma_start3A_1208 = arith.constant 0 : i32
      %dma_start3A_1209 = tpu.memref_slice %arg4[%add3A_1204, %dma_start3A_1207, %dma_start3A_1208] : memref<16384x56x128xf32, #tpu.memory_space<hbm>> -> memref<1x50x64xf32, #tpu.memory_space<hbm>>
      %dma_start3A_1210 = tpu.memref_squeeze %dma_start3A_1209 : memref<1x50x64xf32, #tpu.memory_space<hbm>> -> memref<50x64xf32, #tpu.memory_space<hbm>>
      %dma_start3A_1211 = arith.constant 0 : i32
      %dma_start3A_1212 = arith.constant 0 : i32
      %dma_start3A_1213 = tpu.memref_slice %arg4[%add3A_1204, %dma_start3A_1211, %dma_start3A_1212] : memref<16384x56x128xf32, #tpu.memory_space<hbm>> -> memref<1x50x64xf32, #tpu.memory_space<hbm>>
      %dma_start3A_1214 = tpu.memref_squeeze %dma_start3A_1213 : memref<1x50x64xf32, #tpu.memory_space<hbm>> -> memref<50x64xf32, #tpu.memory_space<hbm>>
      %dma_start3A_1215 = arith.constant 0 : i32
      %dma_start3A_1216 = tpu.memref_slice %arg6[%add3A_1199, %dma_start3A_1215] : memref<1200x64xf32, #tpu.memory_space<vmem>> -> memref<50x64xf32, #tpu.memory_space<vmem>>
      tpu.enqueue_dma source(%dma_start3A_1216 : memref<50x64xf32, #tpu.memory_space<vmem>>) target(%dma_start3A_1214 : memref<50x64xf32, #tpu.memory_space<hbm>>) target_semaphore(%arg8 : memref<!tpu.dma_semaphore, #tpu.memory_space<semaphore_mem>>)
      %add3A_1217 = arith.constant 150 : i32
      %add3A_1218 = arith.addi %mul3A_1159, %add3A_1217 : i32
      %mul3A_1219 = arith.constant 8 : i32
      %mul3A_1220 = arith.muli %add3A_923, %mul3A_1219 : i32
      %add3A_1221 = arith.addi %mul3A_2, %mul3A_1220 : i32
      %add3A_1222 = arith.constant 3 : i32
      %add3A_1223 = arith.addi %add3A_1221, %add3A_1222 : i32
      %dma_start3A_1224 = arith.constant 0 : i32
      %dma_start3A_1225 = tpu.memref_slice %arg6[%add3A_1218, %dma_start3A_1224] : memref<1200x64xf32, #tpu.memory_space<vmem>> -> memref<50x64xf32, #tpu.memory_space<vmem>>
      %dma_start3A_1226 = arith.constant 0 : i32
      %dma_start3A_1227 = arith.constant 0 : i32
      %dma_start3A_1228 = tpu.memref_slice %arg4[%add3A_1223, %dma_start3A_1226, %dma_start3A_1227] : memref<16384x56x128xf32, #tpu.memory_space<hbm>> -> memref<1x50x64xf32, #tpu.memory_space<hbm>>
      %dma_start3A_1229 = tpu.memref_squeeze %dma_start3A_1228 : memref<1x50x64xf32, #tpu.memory_space<hbm>> -> memref<50x64xf32, #tpu.memory_space<hbm>>
      %dma_start3A_1230 = arith.constant 0 : i32
      %dma_start3A_1231 = arith.constant 0 : i32
      %dma_start3A_1232 = tpu.memref_slice %arg4[%add3A_1223, %dma_start3A_1230, %dma_start3A_1231] : memref<16384x56x128xf32, #tpu.memory_space<hbm>> -> memref<1x50x64xf32, #tpu.memory_space<hbm>>
      %dma_start3A_1233 = tpu.memref_squeeze %dma_start3A_1232 : memref<1x50x64xf32, #tpu.memory_space<hbm>> -> memref<50x64xf32, #tpu.memory_space<hbm>>
      %dma_start3A_1234 = arith.constant 0 : i32
      %dma_start3A_1235 = tpu.memref_slice %arg6[%add3A_1218, %dma_start3A_1234] : memref<1200x64xf32, #tpu.memory_space<vmem>> -> memref<50x64xf32, #tpu.memory_space<vmem>>
      tpu.enqueue_dma source(%dma_start3A_1235 : memref<50x64xf32, #tpu.memory_space<vmem>>) target(%dma_start3A_1233 : memref<50x64xf32, #tpu.memory_space<hbm>>) target_semaphore(%arg8 : memref<!tpu.dma_semaphore, #tpu.memory_space<semaphore_mem>>)
      %add3A_1236 = arith.constant 200 : i32
      %add3A_1237 = arith.addi %mul3A_1159, %add3A_1236 : i32
      %mul3A_1238 = arith.constant 8 : i32
      %mul3A_1239 = arith.muli %add3A_923, %mul3A_1238 : i32
      %add3A_1240 = arith.addi %mul3A_2, %mul3A_1239 : i32
      %add3A_1241 = arith.constant 4 : i32
      %add3A_1242 = arith.addi %add3A_1240, %add3A_1241 : i32
      %dma_start3A_1243 = arith.constant 0 : i32
      %dma_start3A_1244 = tpu.memref_slice %arg6[%add3A_1237, %dma_start3A_1243] : memref<1200x64xf32, #tpu.memory_space<vmem>> -> memref<50x64xf32, #tpu.memory_space<vmem>>
      %dma_start3A_1245 = arith.constant 0 : i32
      %dma_start3A_1246 = arith.constant 0 : i32
      %dma_start3A_1247 = tpu.memref_slice %arg4[%add3A_1242, %dma_start3A_1245, %dma_start3A_1246] : memref<16384x56x128xf32, #tpu.memory_space<hbm>> -> memref<1x50x64xf32, #tpu.memory_space<hbm>>
      %dma_start3A_1248 = tpu.memref_squeeze %dma_start3A_1247 : memref<1x50x64xf32, #tpu.memory_space<hbm>> -> memref<50x64xf32, #tpu.memory_space<hbm>>
      %dma_start3A_1249 = arith.constant 0 : i32
      %dma_start3A_1250 = arith.constant 0 : i32
      %dma_start3A_1251 = tpu.memref_slice %arg4[%add3A_1242, %dma_start3A_1249, %dma_start3A_1250] : memref<16384x56x128xf32, #tpu.memory_space<hbm>> -> memref<1x50x64xf32, #tpu.memory_space<hbm>>
      %dma_start3A_1252 = tpu.memref_squeeze %dma_start3A_1251 : memref<1x50x64xf32, #tpu.memory_space<hbm>> -> memref<50x64xf32, #tpu.memory_space<hbm>>
      %dma_start3A_1253 = arith.constant 0 : i32
      %dma_start3A_1254 = tpu.memref_slice %arg6[%add3A_1237, %dma_start3A_1253] : memref<1200x64xf32, #tpu.memory_space<vmem>> -> memref<50x64xf32, #tpu.memory_space<vmem>>
      tpu.enqueue_dma source(%dma_start3A_1254 : memref<50x64xf32, #tpu.memory_space<vmem>>) target(%dma_start3A_1252 : memref<50x64xf32, #tpu.memory_space<hbm>>) target_semaphore(%arg8 : memref<!tpu.dma_semaphore, #tpu.memory_space<semaphore_mem>>)
      %add3A_1255 = arith.constant 250 : i32
      %add3A_1256 = arith.addi %mul3A_1159, %add3A_1255 : i32
      %mul3A_1257 = arith.constant 8 : i32
      %mul3A_1258 = arith.muli %add3A_923, %mul3A_1257 : i32
      %add3A_1259 = arith.addi %mul3A_2, %mul3A_1258 : i32
      %add3A_1260 = arith.constant 5 : i32
      %add3A_1261 = arith.addi %add3A_1259, %add3A_1260 : i32
      %dma_start3A_1262 = arith.constant 0 : i32
      %dma_start3A_1263 = tpu.memref_slice %arg6[%add3A_1256, %dma_start3A_1262] : memref<1200x64xf32, #tpu.memory_space<vmem>> -> memref<50x64xf32, #tpu.memory_space<vmem>>
      %dma_start3A_1264 = arith.constant 0 : i32
      %dma_start3A_1265 = arith.constant 0 : i32
      %dma_start3A_1266 = tpu.memref_slice %arg4[%add3A_1261, %dma_start3A_1264, %dma_start3A_1265] : memref<16384x56x128xf32, #tpu.memory_space<hbm>> -> memref<1x50x64xf32, #tpu.memory_space<hbm>>
      %dma_start3A_1267 = tpu.memref_squeeze %dma_start3A_1266 : memref<1x50x64xf32, #tpu.memory_space<hbm>> -> memref<50x64xf32, #tpu.memory_space<hbm>>
      %dma_start3A_1268 = arith.constant 0 : i32
      %dma_start3A_1269 = arith.constant 0 : i32
      %dma_start3A_1270 = tpu.memref_slice %arg4[%add3A_1261, %dma_start3A_1268, %dma_start3A_1269] : memref<16384x56x128xf32, #tpu.memory_space<hbm>> -> memref<1x50x64xf32, #tpu.memory_space<hbm>>
      %dma_start3A_1271 = tpu.memref_squeeze %dma_start3A_1270 : memref<1x50x64xf32, #tpu.memory_space<hbm>> -> memref<50x64xf32, #tpu.memory_space<hbm>>
      %dma_start3A_1272 = arith.constant 0 : i32
      %dma_start3A_1273 = tpu.memref_slice %arg6[%add3A_1256, %dma_start3A_1272] : memref<1200x64xf32, #tpu.memory_space<vmem>> -> memref<50x64xf32, #tpu.memory_space<vmem>>
      tpu.enqueue_dma source(%dma_start3A_1273 : memref<50x64xf32, #tpu.memory_space<vmem>>) target(%dma_start3A_1271 : memref<50x64xf32, #tpu.memory_space<hbm>>) target_semaphore(%arg8 : memref<!tpu.dma_semaphore, #tpu.memory_space<semaphore_mem>>)
      %add3A_1274 = arith.constant 300 : i32
      %add3A_1275 = arith.addi %mul3A_1159, %add3A_1274 : i32
      %mul3A_1276 = arith.constant 8 : i32
      %mul3A_1277 = arith.muli %add3A_923, %mul3A_1276 : i32
      %add3A_1278 = arith.addi %mul3A_2, %mul3A_1277 : i32
      %add3A_1279 = arith.constant 6 : i32
      %add3A_1280 = arith.addi %add3A_1278, %add3A_1279 : i32
      %dma_start3A_1281 = arith.constant 0 : i32
      %dma_start3A_1282 = tpu.memref_slice %arg6[%add3A_1275, %dma_start3A_1281] : memref<1200x64xf32, #tpu.memory_space<vmem>> -> memref<50x64xf32, #tpu.memory_space<vmem>>
      %dma_start3A_1283 = arith.constant 0 : i32
      %dma_start3A_1284 = arith.constant 0 : i32
      %dma_start3A_1285 = tpu.memref_slice %arg4[%add3A_1280, %dma_start3A_1283, %dma_start3A_1284] : memref<16384x56x128xf32, #tpu.memory_space<hbm>> -> memref<1x50x64xf32, #tpu.memory_space<hbm>>
      %dma_start3A_1286 = tpu.memref_squeeze %dma_start3A_1285 : memref<1x50x64xf32, #tpu.memory_space<hbm>> -> memref<50x64xf32, #tpu.memory_space<hbm>>
      %dma_start3A_1287 = arith.constant 0 : i32
      %dma_start3A_1288 = arith.constant 0 : i32
      %dma_start3A_1289 = tpu.memref_slice %arg4[%add3A_1280, %dma_start3A_1287, %dma_start3A_1288] : memref<16384x56x128xf32, #tpu.memory_space<hbm>> -> memref<1x50x64xf32, #tpu.memory_space<hbm>>
      %dma_start3A_1290 = tpu.memref_squeeze %dma_start3A_1289 : memref<1x50x64xf32, #tpu.memory_space<hbm>> -> memref<50x64xf32, #tpu.memory_space<hbm>>
      %dma_start3A_1291 = arith.constant 0 : i32
      %dma_start3A_1292 = tpu.memref_slice %arg6[%add3A_1275, %dma_start3A_1291] : memref<1200x64xf32, #tpu.memory_space<vmem>> -> memref<50x64xf32, #tpu.memory_space<vmem>>
      tpu.enqueue_dma source(%dma_start3A_1292 : memref<50x64xf32, #tpu.memory_space<vmem>>) target(%dma_start3A_1290 : memref<50x64xf32, #tpu.memory_space<hbm>>) target_semaphore(%arg8 : memref<!tpu.dma_semaphore, #tpu.memory_space<semaphore_mem>>)
      %add3A_1293 = arith.constant 350 : i32
      %add3A_1294 = arith.addi %mul3A_1159, %add3A_1293 : i32
      %mul3A_1295 = arith.constant 8 : i32
      %mul3A_1296 = arith.muli %add3A_923, %mul3A_1295 : i32
      %add3A_1297 = arith.addi %mul3A_2, %mul3A_1296 : i32
      %add3A_1298 = arith.constant 7 : i32
      %add3A_1299 = arith.addi %add3A_1297, %add3A_1298 : i32
      %dma_start3A_1300 = arith.constant 0 : i32
      %dma_start3A_1301 = tpu.memref_slice %arg6[%add3A_1294, %dma_start3A_1300] : memref<1200x64xf32, #tpu.memory_space<vmem>> -> memref<50x64xf32, #tpu.memory_space<vmem>>
      %dma_start3A_1302 = arith.constant 0 : i32
      %dma_start3A_1303 = arith.constant 0 : i32
      %dma_start3A_1304 = tpu.memref_slice %arg4[%add3A_1299, %dma_start3A_1302, %dma_start3A_1303] : memref<16384x56x128xf32, #tpu.memory_space<hbm>> -> memref<1x50x64xf32, #tpu.memory_space<hbm>>
      %dma_start3A_1305 = tpu.memref_squeeze %dma_start3A_1304 : memref<1x50x64xf32, #tpu.memory_space<hbm>> -> memref<50x64xf32, #tpu.memory_space<hbm>>
      %dma_start3A_1306 = arith.constant 0 : i32
      %dma_start3A_1307 = arith.constant 0 : i32
      %dma_start3A_1308 = tpu.memref_slice %arg4[%add3A_1299, %dma_start3A_1306, %dma_start3A_1307] : memref<16384x56x128xf32, #tpu.memory_space<hbm>> -> memref<1x50x64xf32, #tpu.memory_space<hbm>>
      %dma_start3A_1309 = tpu.memref_squeeze %dma_start3A_1308 : memref<1x50x64xf32, #tpu.memory_space<hbm>> -> memref<50x64xf32, #tpu.memory_space<hbm>>
      %dma_start3A_1310 = arith.constant 0 : i32
      %dma_start3A_1311 = tpu.memref_slice %arg6[%add3A_1294, %dma_start3A_1310] : memref<1200x64xf32, #tpu.memory_space<vmem>> -> memref<50x64xf32, #tpu.memory_space<vmem>>
      tpu.enqueue_dma source(%dma_start3A_1311 : memref<50x64xf32, #tpu.memory_space<vmem>>) target(%dma_start3A_1309 : memref<50x64xf32, #tpu.memory_space<hbm>>) target_semaphore(%arg8 : memref<!tpu.dma_semaphore, #tpu.memory_space<semaphore_mem>>)
    }
    %scan3A_182 = arith.constant 61 : i32
    %dma_wait3A_183 = arith.constant 800 : i32
    %dma_wait3A_184 = arith.constant 0 : i32
    %dma_wait3A_185 = tpu.memref_slice %arg6[%dma_wait3A_183, %dma_wait3A_184] : memref<1200x64xf32, #tpu.memory_space<vmem>> -> memref<400x64xf32, #tpu.memory_space<vmem>>
    %dma_wait3A_186 = arith.constant 24800 : i32
    %dma_wait3A_187 = tpu.memref_slice %arg5[%dma_wait3A_186] : memref<25600xi32, #tpu.memory_space<vmem>> -> memref<400xi32, #tpu.memory_space<vmem>>
    %dma_wait3A_188 = arith.constant 0 : i32
    %dma_wait3A_189 = arith.constant 0 : i32
    %dma_wait3A_190 = tpu.memref_slice %arg3[%dma_wait3A_188, %dma_wait3A_189] : memref<1000000x64xf32, #tpu.memory_space<hbm>> -> memref<1000000x64xf32, #tpu.memory_space<hbm>>
    tpu.wait_indirect_dma semaphore(%arg7 : memref<!tpu.dma_semaphore, #tpu.memory_space<semaphore_mem>>) src(%dma_wait3A_190 : memref<1000000x64xf32, #tpu.memory_space<hbm>>) dst(%dma_wait3A_185 : memref<400x64xf32, #tpu.memory_space<vmem>>)
    %add3A_191 = arith.constant 488 : i32
    %add3A_192 = arith.addi %mul3A_2, %add3A_191 : i32
    %add3A_193 = arith.constant 0 : i32
    %add3A_194 = arith.addi %add3A_192, %add3A_193 : i32
    %dma_wait3A_195 = arith.constant 400 : i32
    %dma_wait3A_196 = arith.constant 0 : i32
    %dma_wait3A_197 = tpu.memref_slice %arg6[%dma_wait3A_195, %dma_wait3A_196] : memref<1200x64xf32, #tpu.memory_space<vmem>> -> memref<50x64xf32, #tpu.memory_space<vmem>>
    %dma_wait3A_198 = arith.constant 0 : i32
    %dma_wait3A_199 = arith.constant 0 : i32
    %dma_wait3A_200 = tpu.memref_slice %arg4[%add3A_194, %dma_wait3A_198, %dma_wait3A_199] : memref<16384x56x128xf32, #tpu.memory_space<hbm>> -> memref<1x50x64xf32, #tpu.memory_space<hbm>>
    %dma_wait3A_201 = tpu.memref_squeeze %dma_wait3A_200 : memref<1x50x64xf32, #tpu.memory_space<hbm>> -> memref<50x64xf32, #tpu.memory_space<hbm>>
    %dma_wait3A_202 = arith.constant 0 : i32
    %dma_wait3A_203 = arith.constant 0 : i32
    %dma_wait3A_204 = tpu.memref_slice %arg4[%add3A_194, %dma_wait3A_202, %dma_wait3A_203] : memref<16384x56x128xf32, #tpu.memory_space<hbm>> -> memref<1x50x64xf32, #tpu.memory_space<hbm>>
    %dma_wait3A_205 = tpu.memref_squeeze %dma_wait3A_204 : memref<1x50x64xf32, #tpu.memory_space<hbm>> -> memref<50x64xf32, #tpu.memory_space<hbm>>
    %dma_wait3A_206 = arith.constant 400 : i32
    %dma_wait3A_207 = arith.constant 0 : i32
    %dma_wait3A_208 = tpu.memref_slice %arg6[%dma_wait3A_206, %dma_wait3A_207] : memref<1200x64xf32, #tpu.memory_space<vmem>> -> memref<50x64xf32, #tpu.memory_space<vmem>>
    tpu.wait_dma2 semaphore(%arg8 : memref<!tpu.dma_semaphore, #tpu.memory_space<semaphore_mem>>) src(%dma_wait3A_208 : memref<50x64xf32, #tpu.memory_space<vmem>>) dst(%dma_wait3A_205 : memref<50x64xf32, #tpu.memory_space<hbm>>)
    %add3A_209 = arith.constant 488 : i32
    %add3A_210 = arith.addi %mul3A_2, %add3A_209 : i32
    %add3A_211 = arith.constant 1 : i32
    %add3A_212 = arith.addi %add3A_210, %add3A_211 : i32
    %dma_wait3A_213 = arith.constant 450 : i32
    %dma_wait3A_214 = arith.constant 0 : i32
    %dma_wait3A_215 = tpu.memref_slice %arg6[%dma_wait3A_213, %dma_wait3A_214] : memref<1200x64xf32, #tpu.memory_space<vmem>> -> memref<50x64xf32, #tpu.memory_space<vmem>>
    %dma_wait3A_216 = arith.constant 0 : i32
    %dma_wait3A_217 = arith.constant 0 : i32
    %dma_wait3A_218 = tpu.memref_slice %arg4[%add3A_212, %dma_wait3A_216, %dma_wait3A_217] : memref<16384x56x128xf32, #tpu.memory_space<hbm>> -> memref<1x50x64xf32, #tpu.memory_space<hbm>>
    %dma_wait3A_219 = tpu.memref_squeeze %dma_wait3A_218 : memref<1x50x64xf32, #tpu.memory_space<hbm>> -> memref<50x64xf32, #tpu.memory_space<hbm>>
    %dma_wait3A_220 = arith.constant 0 : i32
    %dma_wait3A_221 = arith.constant 0 : i32
    %dma_wait3A_222 = tpu.memref_slice %arg4[%add3A_212, %dma_wait3A_220, %dma_wait3A_221] : memref<16384x56x128xf32, #tpu.memory_space<hbm>> -> memref<1x50x64xf32, #tpu.memory_space<hbm>>
    %dma_wait3A_223 = tpu.memref_squeeze %dma_wait3A_222 : memref<1x50x64xf32, #tpu.memory_space<hbm>> -> memref<50x64xf32, #tpu.memory_space<hbm>>
    %dma_wait3A_224 = arith.constant 450 : i32
    %dma_wait3A_225 = arith.constant 0 : i32
    %dma_wait3A_226 = tpu.memref_slice %arg6[%dma_wait3A_224, %dma_wait3A_225] : memref<1200x64xf32, #tpu.memory_space<vmem>> -> memref<50x64xf32, #tpu.memory_space<vmem>>
    tpu.wait_dma2 semaphore(%arg8 : memref<!tpu.dma_semaphore, #tpu.memory_space<semaphore_mem>>) src(%dma_wait3A_226 : memref<50x64xf32, #tpu.memory_space<vmem>>) dst(%dma_wait3A_223 : memref<50x64xf32, #tpu.memory_space<hbm>>)
    %add3A_227 = arith.constant 488 : i32
    %add3A_228 = arith.addi %mul3A_2, %add3A_227 : i32
    %add3A_229 = arith.constant 2 : i32
    %add3A_230 = arith.addi %add3A_228, %add3A_229 : i32
    %dma_wait3A_231 = arith.constant 500 : i32
    %dma_wait3A_232 = arith.constant 0 : i32
    %dma_wait3A_233 = tpu.memref_slice %arg6[%dma_wait3A_231, %dma_wait3A_232] : memref<1200x64xf32, #tpu.memory_space<vmem>> -> memref<50x64xf32, #tpu.memory_space<vmem>>
    %dma_wait3A_234 = arith.constant 0 : i32
    %dma_wait3A_235 = arith.constant 0 : i32
    %dma_wait3A_236 = tpu.memref_slice %arg4[%add3A_230, %dma_wait3A_234, %dma_wait3A_235] : memref<16384x56x128xf32, #tpu.memory_space<hbm>> -> memref<1x50x64xf32, #tpu.memory_space<hbm>>
    %dma_wait3A_237 = tpu.memref_squeeze %dma_wait3A_236 : memref<1x50x64xf32, #tpu.memory_space<hbm>> -> memref<50x64xf32, #tpu.memory_space<hbm>>
    %dma_wait3A_238 = arith.constant 0 : i32
    %dma_wait3A_239 = arith.constant 0 : i32
    %dma_wait3A_240 = tpu.memref_slice %arg4[%add3A_230, %dma_wait3A_238, %dma_wait3A_239] : memref<16384x56x128xf32, #tpu.memory_space<hbm>> -> memref<1x50x64xf32, #tpu.memory_space<hbm>>
    %dma_wait3A_241 = tpu.memref_squeeze %dma_wait3A_240 : memref<1x50x64xf32, #tpu.memory_space<hbm>> -> memref<50x64xf32, #tpu.memory_space<hbm>>
    %dma_wait3A_242 = arith.constant 500 : i32
    %dma_wait3A_243 = arith.constant 0 : i32
    %dma_wait3A_244 = tpu.memref_slice %arg6[%dma_wait3A_242, %dma_wait3A_243] : memref<1200x64xf32, #tpu.memory_space<vmem>> -> memref<50x64xf32, #tpu.memory_space<vmem>>
    tpu.wait_dma2 semaphore(%arg8 : memref<!tpu.dma_semaphore, #tpu.memory_space<semaphore_mem>>) src(%dma_wait3A_244 : memref<50x64xf32, #tpu.memory_space<vmem>>) dst(%dma_wait3A_241 : memref<50x64xf32, #tpu.memory_space<hbm>>)
    %add3A_245 = arith.constant 488 : i32
    %add3A_246 = arith.addi %mul3A_2, %add3A_245 : i32
    %add3A_247 = arith.constant 3 : i32
    %add3A_248 = arith.addi %add3A_246, %add3A_247 : i32
    %dma_wait3A_249 = arith.constant 550 : i32
    %dma_wait3A_250 = arith.constant 0 : i32
    %dma_wait3A_251 = tpu.memref_slice %arg6[%dma_wait3A_249, %dma_wait3A_250] : memref<1200x64xf32, #tpu.memory_space<vmem>> -> memref<50x64xf32, #tpu.memory_space<vmem>>
    %dma_wait3A_252 = arith.constant 0 : i32
    %dma_wait3A_253 = arith.constant 0 : i32
    %dma_wait3A_254 = tpu.memref_slice %arg4[%add3A_248, %dma_wait3A_252, %dma_wait3A_253] : memref<16384x56x128xf32, #tpu.memory_space<hbm>> -> memref<1x50x64xf32, #tpu.memory_space<hbm>>
    %dma_wait3A_255 = tpu.memref_squeeze %dma_wait3A_254 : memref<1x50x64xf32, #tpu.memory_space<hbm>> -> memref<50x64xf32, #tpu.memory_space<hbm>>
    %dma_wait3A_256 = arith.constant 0 : i32
    %dma_wait3A_257 = arith.constant 0 : i32
    %dma_wait3A_258 = tpu.memref_slice %arg4[%add3A_248, %dma_wait3A_256, %dma_wait3A_257] : memref<16384x56x128xf32, #tpu.memory_space<hbm>> -> memref<1x50x64xf32, #tpu.memory_space<hbm>>
    %dma_wait3A_259 = tpu.memref_squeeze %dma_wait3A_258 : memref<1x50x64xf32, #tpu.memory_space<hbm>> -> memref<50x64xf32, #tpu.memory_space<hbm>>
    %dma_wait3A_260 = arith.constant 550 : i32
    %dma_wait3A_261 = arith.constant 0 : i32
    %dma_wait3A_262 = tpu.memref_slice %arg6[%dma_wait3A_260, %dma_wait3A_261] : memref<1200x64xf32, #tpu.memory_space<vmem>> -> memref<50x64xf32, #tpu.memory_space<vmem>>
    tpu.wait_dma2 semaphore(%arg8 : memref<!tpu.dma_semaphore, #tpu.memory_space<semaphore_mem>>) src(%dma_wait3A_262 : memref<50x64xf32, #tpu.memory_space<vmem>>) dst(%dma_wait3A_259 : memref<50x64xf32, #tpu.memory_space<hbm>>)
    %add3A_263 = arith.constant 488 : i32
    %add3A_264 = arith.addi %mul3A_2, %add3A_263 : i32
    %add3A_265 = arith.constant 4 : i32
    %add3A_266 = arith.addi %add3A_264, %add3A_265 : i32
    %dma_wait3A_267 = arith.constant 600 : i32
    %dma_wait3A_268 = arith.constant 0 : i32
    %dma_wait3A_269 = tpu.memref_slice %arg6[%dma_wait3A_267, %dma_wait3A_268] : memref<1200x64xf32, #tpu.memory_space<vmem>> -> memref<50x64xf32, #tpu.memory_space<vmem>>
    %dma_wait3A_270 = arith.constant 0 : i32
    %dma_wait3A_271 = arith.constant 0 : i32
    %dma_wait3A_272 = tpu.memref_slice %arg4[%add3A_266, %dma_wait3A_270, %dma_wait3A_271] : memref<16384x56x128xf32, #tpu.memory_space<hbm>> -> memref<1x50x64xf32, #tpu.memory_space<hbm>>
    %dma_wait3A_273 = tpu.memref_squeeze %dma_wait3A_272 : memref<1x50x64xf32, #tpu.memory_space<hbm>> -> memref<50x64xf32, #tpu.memory_space<hbm>>
    %dma_wait3A_274 = arith.constant 0 : i32
    %dma_wait3A_275 = arith.constant 0 : i32
    %dma_wait3A_276 = tpu.memref_slice %arg4[%add3A_266, %dma_wait3A_274, %dma_wait3A_275] : memref<16384x56x128xf32, #tpu.memory_space<hbm>> -> memref<1x50x64xf32, #tpu.memory_space<hbm>>
    %dma_wait3A_277 = tpu.memref_squeeze %dma_wait3A_276 : memref<1x50x64xf32, #tpu.memory_space<hbm>> -> memref<50x64xf32, #tpu.memory_space<hbm>>
    %dma_wait3A_278 = arith.constant 600 : i32
    %dma_wait3A_279 = arith.constant 0 : i32
    %dma_wait3A_280 = tpu.memref_slice %arg6[%dma_wait3A_278, %dma_wait3A_279] : memref<1200x64xf32, #tpu.memory_space<vmem>> -> memref<50x64xf32, #tpu.memory_space<vmem>>
    tpu.wait_dma2 semaphore(%arg8 : memref<!tpu.dma_semaphore, #tpu.memory_space<semaphore_mem>>) src(%dma_wait3A_280 : memref<50x64xf32, #tpu.memory_space<vmem>>) dst(%dma_wait3A_277 : memref<50x64xf32, #tpu.memory_space<hbm>>)
    %add3A_281 = arith.constant 488 : i32
    %add3A_282 = arith.addi %mul3A_2, %add3A_281 : i32
    %add3A_283 = arith.constant 5 : i32
    %add3A_284 = arith.addi %add3A_282, %add3A_283 : i32
    %dma_wait3A_285 = arith.constant 650 : i32
    %dma_wait3A_286 = arith.constant 0 : i32
    %dma_wait3A_287 = tpu.memref_slice %arg6[%dma_wait3A_285, %dma_wait3A_286] : memref<1200x64xf32, #tpu.memory_space<vmem>> -> memref<50x64xf32, #tpu.memory_space<vmem>>
    %dma_wait3A_288 = arith.constant 0 : i32
    %dma_wait3A_289 = arith.constant 0 : i32
    %dma_wait3A_290 = tpu.memref_slice %arg4[%add3A_284, %dma_wait3A_288, %dma_wait3A_289] : memref<16384x56x128xf32, #tpu.memory_space<hbm>> -> memref<1x50x64xf32, #tpu.memory_space<hbm>>
    %dma_wait3A_291 = tpu.memref_squeeze %dma_wait3A_290 : memref<1x50x64xf32, #tpu.memory_space<hbm>> -> memref<50x64xf32, #tpu.memory_space<hbm>>
    %dma_wait3A_292 = arith.constant 0 : i32
    %dma_wait3A_293 = arith.constant 0 : i32
    %dma_wait3A_294 = tpu.memref_slice %arg4[%add3A_284, %dma_wait3A_292, %dma_wait3A_293] : memref<16384x56x128xf32, #tpu.memory_space<hbm>> -> memref<1x50x64xf32, #tpu.memory_space<hbm>>
    %dma_wait3A_295 = tpu.memref_squeeze %dma_wait3A_294 : memref<1x50x64xf32, #tpu.memory_space<hbm>> -> memref<50x64xf32, #tpu.memory_space<hbm>>
    %dma_wait3A_296 = arith.constant 650 : i32
    %dma_wait3A_297 = arith.constant 0 : i32
    %dma_wait3A_298 = tpu.memref_slice %arg6[%dma_wait3A_296, %dma_wait3A_297] : memref<1200x64xf32, #tpu.memory_space<vmem>> -> memref<50x64xf32, #tpu.memory_space<vmem>>
    tpu.wait_dma2 semaphore(%arg8 : memref<!tpu.dma_semaphore, #tpu.memory_space<semaphore_mem>>) src(%dma_wait3A_298 : memref<50x64xf32, #tpu.memory_space<vmem>>) dst(%dma_wait3A_295 : memref<50x64xf32, #tpu.memory_space<hbm>>)
    %add3A_299 = arith.constant 488 : i32
    %add3A_300 = arith.addi %mul3A_2, %add3A_299 : i32
    %add3A_301 = arith.constant 6 : i32
    %add3A_302 = arith.addi %add3A_300, %add3A_301 : i32
    %dma_wait3A_303 = arith.constant 700 : i32
    %dma_wait3A_304 = arith.constant 0 : i32
    %dma_wait3A_305 = tpu.memref_slice %arg6[%dma_wait3A_303, %dma_wait3A_304] : memref<1200x64xf32, #tpu.memory_space<vmem>> -> memref<50x64xf32, #tpu.memory_space<vmem>>
    %dma_wait3A_306 = arith.constant 0 : i32
    %dma_wait3A_307 = arith.constant 0 : i32
    %dma_wait3A_308 = tpu.memref_slice %arg4[%add3A_302, %dma_wait3A_306, %dma_wait3A_307] : memref<16384x56x128xf32, #tpu.memory_space<hbm>> -> memref<1x50x64xf32, #tpu.memory_space<hbm>>
    %dma_wait3A_309 = tpu.memref_squeeze %dma_wait3A_308 : memref<1x50x64xf32, #tpu.memory_space<hbm>> -> memref<50x64xf32, #tpu.memory_space<hbm>>
    %dma_wait3A_310 = arith.constant 0 : i32
    %dma_wait3A_311 = arith.constant 0 : i32
    %dma_wait3A_312 = tpu.memref_slice %arg4[%add3A_302, %dma_wait3A_310, %dma_wait3A_311] : memref<16384x56x128xf32, #tpu.memory_space<hbm>> -> memref<1x50x64xf32, #tpu.memory_space<hbm>>
    %dma_wait3A_313 = tpu.memref_squeeze %dma_wait3A_312 : memref<1x50x64xf32, #tpu.memory_space<hbm>> -> memref<50x64xf32, #tpu.memory_space<hbm>>
    %dma_wait3A_314 = arith.constant 700 : i32
    %dma_wait3A_315 = arith.constant 0 : i32
    %dma_wait3A_316 = tpu.memref_slice %arg6[%dma_wait3A_314, %dma_wait3A_315] : memref<1200x64xf32, #tpu.memory_space<vmem>> -> memref<50x64xf32, #tpu.memory_space<vmem>>
    tpu.wait_dma2 semaphore(%arg8 : memref<!tpu.dma_semaphore, #tpu.memory_space<semaphore_mem>>) src(%dma_wait3A_316 : memref<50x64xf32, #tpu.memory_space<vmem>>) dst(%dma_wait3A_313 : memref<50x64xf32, #tpu.memory_space<hbm>>)
    %add3A_317 = arith.constant 488 : i32
    %add3A_318 = arith.addi %mul3A_2, %add3A_317 : i32
    %add3A_319 = arith.constant 7 : i32
    %add3A_320 = arith.addi %add3A_318, %add3A_319 : i32
    %dma_wait3A_321 = arith.constant 750 : i32
    %dma_wait3A_322 = arith.constant 0 : i32
    %dma_wait3A_323 = tpu.memref_slice %arg6[%dma_wait3A_321, %dma_wait3A_322] : memref<1200x64xf32, #tpu.memory_space<vmem>> -> memref<50x64xf32, #tpu.memory_space<vmem>>
    %dma_wait3A_324 = arith.constant 0 : i32
    %dma_wait3A_325 = arith.constant 0 : i32
    %dma_wait3A_326 = tpu.memref_slice %arg4[%add3A_320, %dma_wait3A_324, %dma_wait3A_325] : memref<16384x56x128xf32, #tpu.memory_space<hbm>> -> memref<1x50x64xf32, #tpu.memory_space<hbm>>
    %dma_wait3A_327 = tpu.memref_squeeze %dma_wait3A_326 : memref<1x50x64xf32, #tpu.memory_space<hbm>> -> memref<50x64xf32, #tpu.memory_space<hbm>>
    %dma_wait3A_328 = arith.constant 0 : i32
    %dma_wait3A_329 = arith.constant 0 : i32
    %dma_wait3A_330 = tpu.memref_slice %arg4[%add3A_320, %dma_wait3A_328, %dma_wait3A_329] : memref<16384x56x128xf32, #tpu.memory_space<hbm>> -> memref<1x50x64xf32, #tpu.memory_space<hbm>>
    %dma_wait3A_331 = tpu.memref_squeeze %dma_wait3A_330 : memref<1x50x64xf32, #tpu.memory_space<hbm>> -> memref<50x64xf32, #tpu.memory_space<hbm>>
    %dma_wait3A_332 = arith.constant 750 : i32
    %dma_wait3A_333 = arith.constant 0 : i32
    %dma_wait3A_334 = tpu.memref_slice %arg6[%dma_wait3A_332, %dma_wait3A_333] : memref<1200x64xf32, #tpu.memory_space<vmem>> -> memref<50x64xf32, #tpu.memory_space<vmem>>
    tpu.wait_dma2 semaphore(%arg8 : memref<!tpu.dma_semaphore, #tpu.memory_space<semaphore_mem>>) src(%dma_wait3A_334 : memref<50x64xf32, #tpu.memory_space<vmem>>) dst(%dma_wait3A_331 : memref<50x64xf32, #tpu.memory_space<hbm>>)
    %add3A_335 = arith.constant 496 : i32
    %add3A_336 = arith.addi %mul3A_2, %add3A_335 : i32
    %add3A_337 = arith.constant 0 : i32
    %add3A_338 = arith.addi %add3A_336, %add3A_337 : i32
    %dma_start3A_339 = arith.constant 800 : i32
    %dma_start3A_340 = arith.constant 0 : i32
    %dma_start3A_341 = tpu.memref_slice %arg6[%dma_start3A_339, %dma_start3A_340] : memref<1200x64xf32, #tpu.memory_space<vmem>> -> memref<50x64xf32, #tpu.memory_space<vmem>>
    %dma_start3A_342 = arith.constant 0 : i32
    %dma_start3A_343 = arith.constant 0 : i32
    %dma_start3A_344 = tpu.memref_slice %arg4[%add3A_338, %dma_start3A_342, %dma_start3A_343] : memref<16384x56x128xf32, #tpu.memory_space<hbm>> -> memref<1x50x64xf32, #tpu.memory_space<hbm>>
    %dma_start3A_345 = tpu.memref_squeeze %dma_start3A_344 : memref<1x50x64xf32, #tpu.memory_space<hbm>> -> memref<50x64xf32, #tpu.memory_space<hbm>>
    %dma_start3A_346 = arith.constant 0 : i32
    %dma_start3A_347 = arith.constant 0 : i32
    %dma_start3A_348 = tpu.memref_slice %arg4[%add3A_338, %dma_start3A_346, %dma_start3A_347] : memref<16384x56x128xf32, #tpu.memory_space<hbm>> -> memref<1x50x64xf32, #tpu.memory_space<hbm>>
    %dma_start3A_349 = tpu.memref_squeeze %dma_start3A_348 : memref<1x50x64xf32, #tpu.memory_space<hbm>> -> memref<50x64xf32, #tpu.memory_space<hbm>>
    %dma_start3A_350 = arith.constant 800 : i32
    %dma_start3A_351 = arith.constant 0 : i32
    %dma_start3A_352 = tpu.memref_slice %arg6[%dma_start3A_350, %dma_start3A_351] : memref<1200x64xf32, #tpu.memory_space<vmem>> -> memref<50x64xf32, #tpu.memory_space<vmem>>
    tpu.enqueue_dma source(%dma_start3A_352 : memref<50x64xf32, #tpu.memory_space<vmem>>) target(%dma_start3A_349 : memref<50x64xf32, #tpu.memory_space<hbm>>) target_semaphore(%arg8 : memref<!tpu.dma_semaphore, #tpu.memory_space<semaphore_mem>>)
    %add3A_353 = arith.constant 496 : i32
    %add3A_354 = arith.addi %mul3A_2, %add3A_353 : i32
    %add3A_355 = arith.constant 1 : i32
    %add3A_356 = arith.addi %add3A_354, %add3A_355 : i32
    %dma_start3A_357 = arith.constant 850 : i32
    %dma_start3A_358 = arith.constant 0 : i32
    %dma_start3A_359 = tpu.memref_slice %arg6[%dma_start3A_357, %dma_start3A_358] : memref<1200x64xf32, #tpu.memory_space<vmem>> -> memref<50x64xf32, #tpu.memory_space<vmem>>
    %dma_start3A_360 = arith.constant 0 : i32
    %dma_start3A_361 = arith.constant 0 : i32
    %dma_start3A_362 = tpu.memref_slice %arg4[%add3A_356, %dma_start3A_360, %dma_start3A_361] : memref<16384x56x128xf32, #tpu.memory_space<hbm>> -> memref<1x50x64xf32, #tpu.memory_space<hbm>>
    %dma_start3A_363 = tpu.memref_squeeze %dma_start3A_362 : memref<1x50x64xf32, #tpu.memory_space<hbm>> -> memref<50x64xf32, #tpu.memory_space<hbm>>
    %dma_start3A_364 = arith.constant 0 : i32
    %dma_start3A_365 = arith.constant 0 : i32
    %dma_start3A_366 = tpu.memref_slice %arg4[%add3A_356, %dma_start3A_364, %dma_start3A_365] : memref<16384x56x128xf32, #tpu.memory_space<hbm>> -> memref<1x50x64xf32, #tpu.memory_space<hbm>>
    %dma_start3A_367 = tpu.memref_squeeze %dma_start3A_366 : memref<1x50x64xf32, #tpu.memory_space<hbm>> -> memref<50x64xf32, #tpu.memory_space<hbm>>
    %dma_start3A_368 = arith.constant 850 : i32
    %dma_start3A_369 = arith.constant 0 : i32
    %dma_start3A_370 = tpu.memref_slice %arg6[%dma_start3A_368, %dma_start3A_369] : memref<1200x64xf32, #tpu.memory_space<vmem>> -> memref<50x64xf32, #tpu.memory_space<vmem>>
    tpu.enqueue_dma source(%dma_start3A_370 : memref<50x64xf32, #tpu.memory_space<vmem>>) target(%dma_start3A_367 : memref<50x64xf32, #tpu.memory_space<hbm>>) target_semaphore(%arg8 : memref<!tpu.dma_semaphore, #tpu.memory_space<semaphore_mem>>)
    %add3A_371 = arith.constant 496 : i32
    %add3A_372 = arith.addi %mul3A_2, %add3A_371 : i32
    %add3A_373 = arith.constant 2 : i32
    %add3A_374 = arith.addi %add3A_372, %add3A_373 : i32
    %dma_start3A_375 = arith.constant 900 : i32
    %dma_start3A_376 = arith.constant 0 : i32
    %dma_start3A_377 = tpu.memref_slice %arg6[%dma_start3A_375, %dma_start3A_376] : memref<1200x64xf32, #tpu.memory_space<vmem>> -> memref<50x64xf32, #tpu.memory_space<vmem>>
    %dma_start3A_378 = arith.constant 0 : i32
    %dma_start3A_379 = arith.constant 0 : i32
    %dma_start3A_380 = tpu.memref_slice %arg4[%add3A_374, %dma_start3A_378, %dma_start3A_379] : memref<16384x56x128xf32, #tpu.memory_space<hbm>> -> memref<1x50x64xf32, #tpu.memory_space<hbm>>
    %dma_start3A_381 = tpu.memref_squeeze %dma_start3A_380 : memref<1x50x64xf32, #tpu.memory_space<hbm>> -> memref<50x64xf32, #tpu.memory_space<hbm>>
    %dma_start3A_382 = arith.constant 0 : i32
    %dma_start3A_383 = arith.constant 0 : i32
    %dma_start3A_384 = tpu.memref_slice %arg4[%add3A_374, %dma_start3A_382, %dma_start3A_383] : memref<16384x56x128xf32, #tpu.memory_space<hbm>> -> memref<1x50x64xf32, #tpu.memory_space<hbm>>
    %dma_start3A_385 = tpu.memref_squeeze %dma_start3A_384 : memref<1x50x64xf32, #tpu.memory_space<hbm>> -> memref<50x64xf32, #tpu.memory_space<hbm>>
    %dma_start3A_386 = arith.constant 900 : i32
    %dma_start3A_387 = arith.constant 0 : i32
    %dma_start3A_388 = tpu.memref_slice %arg6[%dma_start3A_386, %dma_start3A_387] : memref<1200x64xf32, #tpu.memory_space<vmem>> -> memref<50x64xf32, #tpu.memory_space<vmem>>
    tpu.enqueue_dma source(%dma_start3A_388 : memref<50x64xf32, #tpu.memory_space<vmem>>) target(%dma_start3A_385 : memref<50x64xf32, #tpu.memory_space<hbm>>) target_semaphore(%arg8 : memref<!tpu.dma_semaphore, #tpu.memory_space<semaphore_mem>>)
    %add3A_389 = arith.constant 496 : i32
    %add3A_390 = arith.addi %mul3A_2, %add3A_389 : i32
    %add3A_391 = arith.constant 3 : i32
    %add3A_392 = arith.addi %add3A_390, %add3A_391 : i32
    %dma_start3A_393 = arith.constant 950 : i32
    %dma_start3A_394 = arith.constant 0 : i32
    %dma_start3A_395 = tpu.memref_slice %arg6[%dma_start3A_393, %dma_start3A_394] : memref<1200x64xf32, #tpu.memory_space<vmem>> -> memref<50x64xf32, #tpu.memory_space<vmem>>
    %dma_start3A_396 = arith.constant 0 : i32
    %dma_start3A_397 = arith.constant 0 : i32
    %dma_start3A_398 = tpu.memref_slice %arg4[%add3A_392, %dma_start3A_396, %dma_start3A_397] : memref<16384x56x128xf32, #tpu.memory_space<hbm>> -> memref<1x50x64xf32, #tpu.memory_space<hbm>>
    %dma_start3A_399 = tpu.memref_squeeze %dma_start3A_398 : memref<1x50x64xf32, #tpu.memory_space<hbm>> -> memref<50x64xf32, #tpu.memory_space<hbm>>
    %dma_start3A_400 = arith.constant 0 : i32
    %dma_start3A_401 = arith.constant 0 : i32
    %dma_start3A_402 = tpu.memref_slice %arg4[%add3A_392, %dma_start3A_400, %dma_start3A_401] : memref<16384x56x128xf32, #tpu.memory_space<hbm>> -> memref<1x50x64xf32, #tpu.memory_space<hbm>>
    %dma_start3A_403 = tpu.memref_squeeze %dma_start3A_402 : memref<1x50x64xf32, #tpu.memory_space<hbm>> -> memref<50x64xf32, #tpu.memory_space<hbm>>
    %dma_start3A_404 = arith.constant 950 : i32
    %dma_start3A_405 = arith.constant 0 : i32
    %dma_start3A_406 = tpu.memref_slice %arg6[%dma_start3A_404, %dma_start3A_405] : memref<1200x64xf32, #tpu.memory_space<vmem>> -> memref<50x64xf32, #tpu.memory_space<vmem>>
    tpu.enqueue_dma source(%dma_start3A_406 : memref<50x64xf32, #tpu.memory_space<vmem>>) target(%dma_start3A_403 : memref<50x64xf32, #tpu.memory_space<hbm>>) target_semaphore(%arg8 : memref<!tpu.dma_semaphore, #tpu.memory_space<semaphore_mem>>)
    %add3A_407 = arith.constant 496 : i32
    %add3A_408 = arith.addi %mul3A_2, %add3A_407 : i32
    %add3A_409 = arith.constant 4 : i32
    %add3A_410 = arith.addi %add3A_408, %add3A_409 : i32
    %dma_start3A_411 = arith.constant 1000 : i32
    %dma_start3A_412 = arith.constant 0 : i32
    %dma_start3A_413 = tpu.memref_slice %arg6[%dma_start3A_411, %dma_start3A_412] : memref<1200x64xf32, #tpu.memory_space<vmem>> -> memref<50x64xf32, #tpu.memory_space<vmem>>
    %dma_start3A_414 = arith.constant 0 : i32
    %dma_start3A_415 = arith.constant 0 : i32
    %dma_start3A_416 = tpu.memref_slice %arg4[%add3A_410, %dma_start3A_414, %dma_start3A_415] : memref<16384x56x128xf32, #tpu.memory_space<hbm>> -> memref<1x50x64xf32, #tpu.memory_space<hbm>>
    %dma_start3A_417 = tpu.memref_squeeze %dma_start3A_416 : memref<1x50x64xf32, #tpu.memory_space<hbm>> -> memref<50x64xf32, #tpu.memory_space<hbm>>
    %dma_start3A_418 = arith.constant 0 : i32
    %dma_start3A_419 = arith.constant 0 : i32
    %dma_start3A_420 = tpu.memref_slice %arg4[%add3A_410, %dma_start3A_418, %dma_start3A_419] : memref<16384x56x128xf32, #tpu.memory_space<hbm>> -> memref<1x50x64xf32, #tpu.memory_space<hbm>>
    %dma_start3A_421 = tpu.memref_squeeze %dma_start3A_420 : memref<1x50x64xf32, #tpu.memory_space<hbm>> -> memref<50x64xf32, #tpu.memory_space<hbm>>
    %dma_start3A_422 = arith.constant 1000 : i32
    %dma_start3A_423 = arith.constant 0 : i32
    %dma_start3A_424 = tpu.memref_slice %arg6[%dma_start3A_422, %dma_start3A_423] : memref<1200x64xf32, #tpu.memory_space<vmem>> -> memref<50x64xf32, #tpu.memory_space<vmem>>
    tpu.enqueue_dma source(%dma_start3A_424 : memref<50x64xf32, #tpu.memory_space<vmem>>) target(%dma_start3A_421 : memref<50x64xf32, #tpu.memory_space<hbm>>) target_semaphore(%arg8 : memref<!tpu.dma_semaphore, #tpu.memory_space<semaphore_mem>>)
    %add3A_425 = arith.constant 496 : i32
    %add3A_426 = arith.addi %mul3A_2, %add3A_425 : i32
    %add3A_427 = arith.constant 5 : i32
    %add3A_428 = arith.addi %add3A_426, %add3A_427 : i32
    %dma_start3A_429 = arith.constant 1050 : i32
    %dma_start3A_430 = arith.constant 0 : i32
    %dma_start3A_431 = tpu.memref_slice %arg6[%dma_start3A_429, %dma_start3A_430] : memref<1200x64xf32, #tpu.memory_space<vmem>> -> memref<50x64xf32, #tpu.memory_space<vmem>>
    %dma_start3A_432 = arith.constant 0 : i32
    %dma_start3A_433 = arith.constant 0 : i32
    %dma_start3A_434 = tpu.memref_slice %arg4[%add3A_428, %dma_start3A_432, %dma_start3A_433] : memref<16384x56x128xf32, #tpu.memory_space<hbm>> -> memref<1x50x64xf32, #tpu.memory_space<hbm>>
    %dma_start3A_435 = tpu.memref_squeeze %dma_start3A_434 : memref<1x50x64xf32, #tpu.memory_space<hbm>> -> memref<50x64xf32, #tpu.memory_space<hbm>>
    %dma_start3A_436 = arith.constant 0 : i32
    %dma_start3A_437 = arith.constant 0 : i32
    %dma_start3A_438 = tpu.memref_slice %arg4[%add3A_428, %dma_start3A_436, %dma_start3A_437] : memref<16384x56x128xf32, #tpu.memory_space<hbm>> -> memref<1x50x64xf32, #tpu.memory_space<hbm>>
    %dma_start3A_439 = tpu.memref_squeeze %dma_start3A_438 : memref<1x50x64xf32, #tpu.memory_space<hbm>> -> memref<50x64xf32, #tpu.memory_space<hbm>>
    %dma_start3A_440 = arith.constant 1050 : i32
    %dma_start3A_441 = arith.constant 0 : i32
    %dma_start3A_442 = tpu.memref_slice %arg6[%dma_start3A_440, %dma_start3A_441] : memref<1200x64xf32, #tpu.memory_space<vmem>> -> memref<50x64xf32, #tpu.memory_space<vmem>>
    tpu.enqueue_dma source(%dma_start3A_442 : memref<50x64xf32, #tpu.memory_space<vmem>>) target(%dma_start3A_439 : memref<50x64xf32, #tpu.memory_space<hbm>>) target_semaphore(%arg8 : memref<!tpu.dma_semaphore, #tpu.memory_space<semaphore_mem>>)
    %add3A_443 = arith.constant 496 : i32
    %add3A_444 = arith.addi %mul3A_2, %add3A_443 : i32
    %add3A_445 = arith.constant 6 : i32
    %add3A_446 = arith.addi %add3A_444, %add3A_445 : i32
    %dma_start3A_447 = arith.constant 1100 : i32
    %dma_start3A_448 = arith.constant 0 : i32
    %dma_start3A_449 = tpu.memref_slice %arg6[%dma_start3A_447, %dma_start3A_448] : memref<1200x64xf32, #tpu.memory_space<vmem>> -> memref<50x64xf32, #tpu.memory_space<vmem>>
    %dma_start3A_450 = arith.constant 0 : i32
    %dma_start3A_451 = arith.constant 0 : i32
    %dma_start3A_452 = tpu.memref_slice %arg4[%add3A_446, %dma_start3A_450, %dma_start3A_451] : memref<16384x56x128xf32, #tpu.memory_space<hbm>> -> memref<1x50x64xf32, #tpu.memory_space<hbm>>
    %dma_start3A_453 = tpu.memref_squeeze %dma_start3A_452 : memref<1x50x64xf32, #tpu.memory_space<hbm>> -> memref<50x64xf32, #tpu.memory_space<hbm>>
    %dma_start3A_454 = arith.constant 0 : i32
    %dma_start3A_455 = arith.constant 0 : i32
    %dma_start3A_456 = tpu.memref_slice %arg4[%add3A_446, %dma_start3A_454, %dma_start3A_455] : memref<16384x56x128xf32, #tpu.memory_space<hbm>> -> memref<1x50x64xf32, #tpu.memory_space<hbm>>
    %dma_start3A_457 = tpu.memref_squeeze %dma_start3A_456 : memref<1x50x64xf32, #tpu.memory_space<hbm>> -> memref<50x64xf32, #tpu.memory_space<hbm>>
    %dma_start3A_458 = arith.constant 1100 : i32
    %dma_start3A_459 = arith.constant 0 : i32
    %dma_start3A_460 = tpu.memref_slice %arg6[%dma_start3A_458, %dma_start3A_459] : memref<1200x64xf32, #tpu.memory_space<vmem>> -> memref<50x64xf32, #tpu.memory_space<vmem>>
    tpu.enqueue_dma source(%dma_start3A_460 : memref<50x64xf32, #tpu.memory_space<vmem>>) target(%dma_start3A_457 : memref<50x64xf32, #tpu.memory_space<hbm>>) target_semaphore(%arg8 : memref<!tpu.dma_semaphore, #tpu.memory_space<semaphore_mem>>)
    %add3A_461 = arith.constant 496 : i32
    %add3A_462 = arith.addi %mul3A_2, %add3A_461 : i32
    %add3A_463 = arith.constant 7 : i32
    %add3A_464 = arith.addi %add3A_462, %add3A_463 : i32
    %dma_start3A_465 = arith.constant 1150 : i32
    %dma_start3A_466 = arith.constant 0 : i32
    %dma_start3A_467 = tpu.memref_slice %arg6[%dma_start3A_465, %dma_start3A_466] : memref<1200x64xf32, #tpu.memory_space<vmem>> -> memref<50x64xf32, #tpu.memory_space<vmem>>
    %dma_start3A_468 = arith.constant 0 : i32
    %dma_start3A_469 = arith.constant 0 : i32
    %dma_start3A_470 = tpu.memref_slice %arg4[%add3A_464, %dma_start3A_468, %dma_start3A_469] : memref<16384x56x128xf32, #tpu.memory_space<hbm>> -> memref<1x50x64xf32, #tpu.memory_space<hbm>>
    %dma_start3A_471 = tpu.memref_squeeze %dma_start3A_470 : memref<1x50x64xf32, #tpu.memory_space<hbm>> -> memref<50x64xf32, #tpu.memory_space<hbm>>
    %dma_start3A_472 = arith.constant 0 : i32
    %dma_start3A_473 = arith.constant 0 : i32
    %dma_start3A_474 = tpu.memref_slice %arg4[%add3A_464, %dma_start3A_472, %dma_start3A_473] : memref<16384x56x128xf32, #tpu.memory_space<hbm>> -> memref<1x50x64xf32, #tpu.memory_space<hbm>>
    %dma_start3A_475 = tpu.memref_squeeze %dma_start3A_474 : memref<1x50x64xf32, #tpu.memory_space<hbm>> -> memref<50x64xf32, #tpu.memory_space<hbm>>
    %dma_start3A_476 = arith.constant 1150 : i32
    %dma_start3A_477 = arith.constant 0 : i32
    %dma_start3A_478 = tpu.memref_slice %arg6[%dma_start3A_476, %dma_start3A_477] : memref<1200x64xf32, #tpu.memory_space<vmem>> -> memref<50x64xf32, #tpu.memory_space<vmem>>
    tpu.enqueue_dma source(%dma_start3A_478 : memref<50x64xf32, #tpu.memory_space<vmem>>) target(%dma_start3A_475 : memref<50x64xf32, #tpu.memory_space<hbm>>) target_semaphore(%arg8 : memref<!tpu.dma_semaphore, #tpu.memory_space<semaphore_mem>>)
    %dma_wait3A_479 = arith.constant 0 : i32
    %dma_wait3A_480 = arith.constant 0 : i32
    %dma_wait3A_481 = tpu.memref_slice %arg6[%dma_wait3A_479, %dma_wait3A_480] : memref<1200x64xf32, #tpu.memory_space<vmem>> -> memref<400x64xf32, #tpu.memory_space<vmem>>
    %dma_wait3A_482 = arith.constant 25200 : i32
    %dma_wait3A_483 = tpu.memref_slice %arg5[%dma_wait3A_482] : memref<25600xi32, #tpu.memory_space<vmem>> -> memref<400xi32, #tpu.memory_space<vmem>>
    %dma_wait3A_484 = arith.constant 0 : i32
    %dma_wait3A_485 = arith.constant 0 : i32
    %dma_wait3A_486 = tpu.memref_slice %arg3[%dma_wait3A_484, %dma_wait3A_485] : memref<1000000x64xf32, #tpu.memory_space<hbm>> -> memref<1000000x64xf32, #tpu.memory_space<hbm>>
    tpu.wait_indirect_dma semaphore(%arg7 : memref<!tpu.dma_semaphore, #tpu.memory_space<semaphore_mem>>) src(%dma_wait3A_486 : memref<1000000x64xf32, #tpu.memory_space<hbm>>) dst(%dma_wait3A_481 : memref<400x64xf32, #tpu.memory_space<vmem>>)
    %add3A_487 = arith.constant 496 : i32
    %add3A_488 = arith.addi %mul3A_2, %add3A_487 : i32
    %add3A_489 = arith.constant 0 : i32
    %add3A_490 = arith.addi %add3A_488, %add3A_489 : i32
    %dma_wait3A_491 = arith.constant 800 : i32
    %dma_wait3A_492 = arith.constant 0 : i32
    %dma_wait3A_493 = tpu.memref_slice %arg6[%dma_wait3A_491, %dma_wait3A_492] : memref<1200x64xf32, #tpu.memory_space<vmem>> -> memref<50x64xf32, #tpu.memory_space<vmem>>
    %dma_wait3A_494 = arith.constant 0 : i32
    %dma_wait3A_495 = arith.constant 0 : i32
    %dma_wait3A_496 = tpu.memref_slice %arg4[%add3A_490, %dma_wait3A_494, %dma_wait3A_495] : memref<16384x56x128xf32, #tpu.memory_space<hbm>> -> memref<1x50x64xf32, #tpu.memory_space<hbm>>
    %dma_wait3A_497 = tpu.memref_squeeze %dma_wait3A_496 : memref<1x50x64xf32, #tpu.memory_space<hbm>> -> memref<50x64xf32, #tpu.memory_space<hbm>>
    %dma_wait3A_498 = arith.constant 0 : i32
    %dma_wait3A_499 = arith.constant 0 : i32
    %dma_wait3A_500 = tpu.memref_slice %arg4[%add3A_490, %dma_wait3A_498, %dma_wait3A_499] : memref<16384x56x128xf32, #tpu.memory_space<hbm>> -> memref<1x50x64xf32, #tpu.memory_space<hbm>>
    %dma_wait3A_501 = tpu.memref_squeeze %dma_wait3A_500 : memref<1x50x64xf32, #tpu.memory_space<hbm>> -> memref<50x64xf32, #tpu.memory_space<hbm>>
    %dma_wait3A_502 = arith.constant 800 : i32
    %dma_wait3A_503 = arith.constant 0 : i32
    %dma_wait3A_504 = tpu.memref_slice %arg6[%dma_wait3A_502, %dma_wait3A_503] : memref<1200x64xf32, #tpu.memory_space<vmem>> -> memref<50x64xf32, #tpu.memory_space<vmem>>
    tpu.wait_dma2 semaphore(%arg8 : memref<!tpu.dma_semaphore, #tpu.memory_space<semaphore_mem>>) src(%dma_wait3A_504 : memref<50x64xf32, #tpu.memory_space<vmem>>) dst(%dma_wait3A_501 : memref<50x64xf32, #tpu.memory_space<hbm>>)
    %add3A_505 = arith.constant 496 : i32
    %add3A_506 = arith.addi %mul3A_2, %add3A_505 : i32
    %add3A_507 = arith.constant 1 : i32
    %add3A_508 = arith.addi %add3A_506, %add3A_507 : i32
    %dma_wait3A_509 = arith.constant 850 : i32
    %dma_wait3A_510 = arith.constant 0 : i32
    %dma_wait3A_511 = tpu.memref_slice %arg6[%dma_wait3A_509, %dma_wait3A_510] : memref<1200x64xf32, #tpu.memory_space<vmem>> -> memref<50x64xf32, #tpu.memory_space<vmem>>
    %dma_wait3A_512 = arith.constant 0 : i32
    %dma_wait3A_513 = arith.constant 0 : i32
    %dma_wait3A_514 = tpu.memref_slice %arg4[%add3A_508, %dma_wait3A_512, %dma_wait3A_513] : memref<16384x56x128xf32, #tpu.memory_space<hbm>> -> memref<1x50x64xf32, #tpu.memory_space<hbm>>
    %dma_wait3A_515 = tpu.memref_squeeze %dma_wait3A_514 : memref<1x50x64xf32, #tpu.memory_space<hbm>> -> memref<50x64xf32, #tpu.memory_space<hbm>>
    %dma_wait3A_516 = arith.constant 0 : i32
    %dma_wait3A_517 = arith.constant 0 : i32
    %dma_wait3A_518 = tpu.memref_slice %arg4[%add3A_508, %dma_wait3A_516, %dma_wait3A_517] : memref<16384x56x128xf32, #tpu.memory_space<hbm>> -> memref<1x50x64xf32, #tpu.memory_space<hbm>>
    %dma_wait3A_519 = tpu.memref_squeeze %dma_wait3A_518 : memref<1x50x64xf32, #tpu.memory_space<hbm>> -> memref<50x64xf32, #tpu.memory_space<hbm>>
    %dma_wait3A_520 = arith.constant 850 : i32
    %dma_wait3A_521 = arith.constant 0 : i32
    %dma_wait3A_522 = tpu.memref_slice %arg6[%dma_wait3A_520, %dma_wait3A_521] : memref<1200x64xf32, #tpu.memory_space<vmem>> -> memref<50x64xf32, #tpu.memory_space<vmem>>
    tpu.wait_dma2 semaphore(%arg8 : memref<!tpu.dma_semaphore, #tpu.memory_space<semaphore_mem>>) src(%dma_wait3A_522 : memref<50x64xf32, #tpu.memory_space<vmem>>) dst(%dma_wait3A_519 : memref<50x64xf32, #tpu.memory_space<hbm>>)
    %add3A_523 = arith.constant 496 : i32
    %add3A_524 = arith.addi %mul3A_2, %add3A_523 : i32
    %add3A_525 = arith.constant 2 : i32
    %add3A_526 = arith.addi %add3A_524, %add3A_525 : i32
    %dma_wait3A_527 = arith.constant 900 : i32
    %dma_wait3A_528 = arith.constant 0 : i32
    %dma_wait3A_529 = tpu.memref_slice %arg6[%dma_wait3A_527, %dma_wait3A_528] : memref<1200x64xf32, #tpu.memory_space<vmem>> -> memref<50x64xf32, #tpu.memory_space<vmem>>
    %dma_wait3A_530 = arith.constant 0 : i32
    %dma_wait3A_531 = arith.constant 0 : i32
    %dma_wait3A_532 = tpu.memref_slice %arg4[%add3A_526, %dma_wait3A_530, %dma_wait3A_531] : memref<16384x56x128xf32, #tpu.memory_space<hbm>> -> memref<1x50x64xf32, #tpu.memory_space<hbm>>
    %dma_wait3A_533 = tpu.memref_squeeze %dma_wait3A_532 : memref<1x50x64xf32, #tpu.memory_space<hbm>> -> memref<50x64xf32, #tpu.memory_space<hbm>>
    %dma_wait3A_534 = arith.constant 0 : i32
    %dma_wait3A_535 = arith.constant 0 : i32
    %dma_wait3A_536 = tpu.memref_slice %arg4[%add3A_526, %dma_wait3A_534, %dma_wait3A_535] : memref<16384x56x128xf32, #tpu.memory_space<hbm>> -> memref<1x50x64xf32, #tpu.memory_space<hbm>>
    %dma_wait3A_537 = tpu.memref_squeeze %dma_wait3A_536 : memref<1x50x64xf32, #tpu.memory_space<hbm>> -> memref<50x64xf32, #tpu.memory_space<hbm>>
    %dma_wait3A_538 = arith.constant 900 : i32
    %dma_wait3A_539 = arith.constant 0 : i32
    %dma_wait3A_540 = tpu.memref_slice %arg6[%dma_wait3A_538, %dma_wait3A_539] : memref<1200x64xf32, #tpu.memory_space<vmem>> -> memref<50x64xf32, #tpu.memory_space<vmem>>
    tpu.wait_dma2 semaphore(%arg8 : memref<!tpu.dma_semaphore, #tpu.memory_space<semaphore_mem>>) src(%dma_wait3A_540 : memref<50x64xf32, #tpu.memory_space<vmem>>) dst(%dma_wait3A_537 : memref<50x64xf32, #tpu.memory_space<hbm>>)
    %add3A_541 = arith.constant 496 : i32
    %add3A_542 = arith.addi %mul3A_2, %add3A_541 : i32
    %add3A_543 = arith.constant 3 : i32
    %add3A_544 = arith.addi %add3A_542, %add3A_543 : i32
    %dma_wait3A_545 = arith.constant 950 : i32
    %dma_wait3A_546 = arith.constant 0 : i32
    %dma_wait3A_547 = tpu.memref_slice %arg6[%dma_wait3A_545, %dma_wait3A_546] : memref<1200x64xf32, #tpu.memory_space<vmem>> -> memref<50x64xf32, #tpu.memory_space<vmem>>
    %dma_wait3A_548 = arith.constant 0 : i32
    %dma_wait3A_549 = arith.constant 0 : i32
    %dma_wait3A_550 = tpu.memref_slice %arg4[%add3A_544, %dma_wait3A_548, %dma_wait3A_549] : memref<16384x56x128xf32, #tpu.memory_space<hbm>> -> memref<1x50x64xf32, #tpu.memory_space<hbm>>
    %dma_wait3A_551 = tpu.memref_squeeze %dma_wait3A_550 : memref<1x50x64xf32, #tpu.memory_space<hbm>> -> memref<50x64xf32, #tpu.memory_space<hbm>>
    %dma_wait3A_552 = arith.constant 0 : i32
    %dma_wait3A_553 = arith.constant 0 : i32
    %dma_wait3A_554 = tpu.memref_slice %arg4[%add3A_544, %dma_wait3A_552, %dma_wait3A_553] : memref<16384x56x128xf32, #tpu.memory_space<hbm>> -> memref<1x50x64xf32, #tpu.memory_space<hbm>>
    %dma_wait3A_555 = tpu.memref_squeeze %dma_wait3A_554 : memref<1x50x64xf32, #tpu.memory_space<hbm>> -> memref<50x64xf32, #tpu.memory_space<hbm>>
    %dma_wait3A_556 = arith.constant 950 : i32
    %dma_wait3A_557 = arith.constant 0 : i32
    %dma_wait3A_558 = tpu.memref_slice %arg6[%dma_wait3A_556, %dma_wait3A_557] : memref<1200x64xf32, #tpu.memory_space<vmem>> -> memref<50x64xf32, #tpu.memory_space<vmem>>
    tpu.wait_dma2 semaphore(%arg8 : memref<!tpu.dma_semaphore, #tpu.memory_space<semaphore_mem>>) src(%dma_wait3A_558 : memref<50x64xf32, #tpu.memory_space<vmem>>) dst(%dma_wait3A_555 : memref<50x64xf32, #tpu.memory_space<hbm>>)
    %add3A_559 = arith.constant 496 : i32
    %add3A_560 = arith.addi %mul3A_2, %add3A_559 : i32
    %add3A_561 = arith.constant 4 : i32
    %add3A_562 = arith.addi %add3A_560, %add3A_561 : i32
    %dma_wait3A_563 = arith.constant 1000 : i32
    %dma_wait3A_564 = arith.constant 0 : i32
    %dma_wait3A_565 = tpu.memref_slice %arg6[%dma_wait3A_563, %dma_wait3A_564] : memref<1200x64xf32, #tpu.memory_space<vmem>> -> memref<50x64xf32, #tpu.memory_space<vmem>>
    %dma_wait3A_566 = arith.constant 0 : i32
    %dma_wait3A_567 = arith.constant 0 : i32
    %dma_wait3A_568 = tpu.memref_slice %arg4[%add3A_562, %dma_wait3A_566, %dma_wait3A_567] : memref<16384x56x128xf32, #tpu.memory_space<hbm>> -> memref<1x50x64xf32, #tpu.memory_space<hbm>>
    %dma_wait3A_569 = tpu.memref_squeeze %dma_wait3A_568 : memref<1x50x64xf32, #tpu.memory_space<hbm>> -> memref<50x64xf32, #tpu.memory_space<hbm>>
    %dma_wait3A_570 = arith.constant 0 : i32
    %dma_wait3A_571 = arith.constant 0 : i32
    %dma_wait3A_572 = tpu.memref_slice %arg4[%add3A_562, %dma_wait3A_570, %dma_wait3A_571] : memref<16384x56x128xf32, #tpu.memory_space<hbm>> -> memref<1x50x64xf32, #tpu.memory_space<hbm>>
    %dma_wait3A_573 = tpu.memref_squeeze %dma_wait3A_572 : memref<1x50x64xf32, #tpu.memory_space<hbm>> -> memref<50x64xf32, #tpu.memory_space<hbm>>
    %dma_wait3A_574 = arith.constant 1000 : i32
    %dma_wait3A_575 = arith.constant 0 : i32
    %dma_wait3A_576 = tpu.memref_slice %arg6[%dma_wait3A_574, %dma_wait3A_575] : memref<1200x64xf32, #tpu.memory_space<vmem>> -> memref<50x64xf32, #tpu.memory_space<vmem>>
    tpu.wait_dma2 semaphore(%arg8 : memref<!tpu.dma_semaphore, #tpu.memory_space<semaphore_mem>>) src(%dma_wait3A_576 : memref<50x64xf32, #tpu.memory_space<vmem>>) dst(%dma_wait3A_573 : memref<50x64xf32, #tpu.memory_space<hbm>>)
    %add3A_577 = arith.constant 496 : i32
    %add3A_578 = arith.addi %mul3A_2, %add3A_577 : i32
    %add3A_579 = arith.constant 5 : i32
    %add3A_580 = arith.addi %add3A_578, %add3A_579 : i32
    %dma_wait3A_581 = arith.constant 1050 : i32
    %dma_wait3A_582 = arith.constant 0 : i32
    %dma_wait3A_583 = tpu.memref_slice %arg6[%dma_wait3A_581, %dma_wait3A_582] : memref<1200x64xf32, #tpu.memory_space<vmem>> -> memref<50x64xf32, #tpu.memory_space<vmem>>
    %dma_wait3A_584 = arith.constant 0 : i32
    %dma_wait3A_585 = arith.constant 0 : i32
    %dma_wait3A_586 = tpu.memref_slice %arg4[%add3A_580, %dma_wait3A_584, %dma_wait3A_585] : memref<16384x56x128xf32, #tpu.memory_space<hbm>> -> memref<1x50x64xf32, #tpu.memory_space<hbm>>
    %dma_wait3A_587 = tpu.memref_squeeze %dma_wait3A_586 : memref<1x50x64xf32, #tpu.memory_space<hbm>> -> memref<50x64xf32, #tpu.memory_space<hbm>>
    %dma_wait3A_588 = arith.constant 0 : i32
    %dma_wait3A_589 = arith.constant 0 : i32
    %dma_wait3A_590 = tpu.memref_slice %arg4[%add3A_580, %dma_wait3A_588, %dma_wait3A_589] : memref<16384x56x128xf32, #tpu.memory_space<hbm>> -> memref<1x50x64xf32, #tpu.memory_space<hbm>>
    %dma_wait3A_591 = tpu.memref_squeeze %dma_wait3A_590 : memref<1x50x64xf32, #tpu.memory_space<hbm>> -> memref<50x64xf32, #tpu.memory_space<hbm>>
    %dma_wait3A_592 = arith.constant 1050 : i32
    %dma_wait3A_593 = arith.constant 0 : i32
    %dma_wait3A_594 = tpu.memref_slice %arg6[%dma_wait3A_592, %dma_wait3A_593] : memref<1200x64xf32, #tpu.memory_space<vmem>> -> memref<50x64xf32, #tpu.memory_space<vmem>>
    tpu.wait_dma2 semaphore(%arg8 : memref<!tpu.dma_semaphore, #tpu.memory_space<semaphore_mem>>) src(%dma_wait3A_594 : memref<50x64xf32, #tpu.memory_space<vmem>>) dst(%dma_wait3A_591 : memref<50x64xf32, #tpu.memory_space<hbm>>)
    %add3A_595 = arith.constant 496 : i32
    %add3A_596 = arith.addi %mul3A_2, %add3A_595 : i32
    %add3A_597 = arith.constant 6 : i32
    %add3A_598 = arith.addi %add3A_596, %add3A_597 : i32
    %dma_wait3A_599 = arith.constant 1100 : i32
    %dma_wait3A_600 = arith.constant 0 : i32
    %dma_wait3A_601 = tpu.memref_slice %arg6[%dma_wait3A_599, %dma_wait3A_600] : memref<1200x64xf32, #tpu.memory_space<vmem>> -> memref<50x64xf32, #tpu.memory_space<vmem>>
    %dma_wait3A_602 = arith.constant 0 : i32
    %dma_wait3A_603 = arith.constant 0 : i32
    %dma_wait3A_604 = tpu.memref_slice %arg4[%add3A_598, %dma_wait3A_602, %dma_wait3A_603] : memref<16384x56x128xf32, #tpu.memory_space<hbm>> -> memref<1x50x64xf32, #tpu.memory_space<hbm>>
    %dma_wait3A_605 = tpu.memref_squeeze %dma_wait3A_604 : memref<1x50x64xf32, #tpu.memory_space<hbm>> -> memref<50x64xf32, #tpu.memory_space<hbm>>
    %dma_wait3A_606 = arith.constant 0 : i32
    %dma_wait3A_607 = arith.constant 0 : i32
    %dma_wait3A_608 = tpu.memref_slice %arg4[%add3A_598, %dma_wait3A_606, %dma_wait3A_607] : memref<16384x56x128xf32, #tpu.memory_space<hbm>> -> memref<1x50x64xf32, #tpu.memory_space<hbm>>
    %dma_wait3A_609 = tpu.memref_squeeze %dma_wait3A_608 : memref<1x50x64xf32, #tpu.memory_space<hbm>> -> memref<50x64xf32, #tpu.memory_space<hbm>>
    %dma_wait3A_610 = arith.constant 1100 : i32
    %dma_wait3A_611 = arith.constant 0 : i32
    %dma_wait3A_612 = tpu.memref_slice %arg6[%dma_wait3A_610, %dma_wait3A_611] : memref<1200x64xf32, #tpu.memory_space<vmem>> -> memref<50x64xf32, #tpu.memory_space<vmem>>
    tpu.wait_dma2 semaphore(%arg8 : memref<!tpu.dma_semaphore, #tpu.memory_space<semaphore_mem>>) src(%dma_wait3A_612 : memref<50x64xf32, #tpu.memory_space<vmem>>) dst(%dma_wait3A_609 : memref<50x64xf32, #tpu.memory_space<hbm>>)
    %add3A_613 = arith.constant 496 : i32
    %add3A_614 = arith.addi %mul3A_2, %add3A_613 : i32
    %add3A_615 = arith.constant 7 : i32
    %add3A_616 = arith.addi %add3A_614, %add3A_615 : i32
    %dma_wait3A_617 = arith.constant 1150 : i32
    %dma_wait3A_618 = arith.constant 0 : i32
    %dma_wait3A_619 = tpu.memref_slice %arg6[%dma_wait3A_617, %dma_wait3A_618] : memref<1200x64xf32, #tpu.memory_space<vmem>> -> memref<50x64xf32, #tpu.memory_space<vmem>>
    %dma_wait3A_620 = arith.constant 0 : i32
    %dma_wait3A_621 = arith.constant 0 : i32
    %dma_wait3A_622 = tpu.memref_slice %arg4[%add3A_616, %dma_wait3A_620, %dma_wait3A_621] : memref<16384x56x128xf32, #tpu.memory_space<hbm>> -> memref<1x50x64xf32, #tpu.memory_space<hbm>>
    %dma_wait3A_623 = tpu.memref_squeeze %dma_wait3A_622 : memref<1x50x64xf32, #tpu.memory_space<hbm>> -> memref<50x64xf32, #tpu.memory_space<hbm>>
    %dma_wait3A_624 = arith.constant 0 : i32
    %dma_wait3A_625 = arith.constant 0 : i32
    %dma_wait3A_626 = tpu.memref_slice %arg4[%add3A_616, %dma_wait3A_624, %dma_wait3A_625] : memref<16384x56x128xf32, #tpu.memory_space<hbm>> -> memref<1x50x64xf32, #tpu.memory_space<hbm>>
    %dma_wait3A_627 = tpu.memref_squeeze %dma_wait3A_626 : memref<1x50x64xf32, #tpu.memory_space<hbm>> -> memref<50x64xf32, #tpu.memory_space<hbm>>
    %dma_wait3A_628 = arith.constant 1150 : i32
    %dma_wait3A_629 = arith.constant 0 : i32
    %dma_wait3A_630 = tpu.memref_slice %arg6[%dma_wait3A_628, %dma_wait3A_629] : memref<1200x64xf32, #tpu.memory_space<vmem>> -> memref<50x64xf32, #tpu.memory_space<vmem>>
    tpu.wait_dma2 semaphore(%arg8 : memref<!tpu.dma_semaphore, #tpu.memory_space<semaphore_mem>>) src(%dma_wait3A_630 : memref<50x64xf32, #tpu.memory_space<vmem>>) dst(%dma_wait3A_627 : memref<50x64xf32, #tpu.memory_space<hbm>>)
    %add3A_631 = arith.constant 504 : i32
    %add3A_632 = arith.addi %mul3A_2, %add3A_631 : i32
    %add3A_633 = arith.constant 0 : i32
    %add3A_634 = arith.addi %add3A_632, %add3A_633 : i32
    %dma_start3A_635 = arith.constant 0 : i32
    %dma_start3A_636 = arith.constant 0 : i32
    %dma_start3A_637 = tpu.memref_slice %arg6[%dma_start3A_635, %dma_start3A_636] : memref<1200x64xf32, #tpu.memory_space<vmem>> -> memref<50x64xf32, #tpu.memory_space<vmem>>
    %dma_start3A_638 = arith.constant 0 : i32
    %dma_start3A_639 = arith.constant 0 : i32
    %dma_start3A_640 = tpu.memref_slice %arg4[%add3A_634, %dma_start3A_638, %dma_start3A_639] : memref<16384x56x128xf32, #tpu.memory_space<hbm>> -> memref<1x50x64xf32, #tpu.memory_space<hbm>>
    %dma_start3A_641 = tpu.memref_squeeze %dma_start3A_640 : memref<1x50x64xf32, #tpu.memory_space<hbm>> -> memref<50x64xf32, #tpu.memory_space<hbm>>
    %dma_start3A_642 = arith.constant 0 : i32
    %dma_start3A_643 = arith.constant 0 : i32
    %dma_start3A_644 = tpu.memref_slice %arg4[%add3A_634, %dma_start3A_642, %dma_start3A_643] : memref<16384x56x128xf32, #tpu.memory_space<hbm>> -> memref<1x50x64xf32, #tpu.memory_space<hbm>>
    %dma_start3A_645 = tpu.memref_squeeze %dma_start3A_644 : memref<1x50x64xf32, #tpu.memory_space<hbm>> -> memref<50x64xf32, #tpu.memory_space<hbm>>
    %dma_start3A_646 = arith.constant 0 : i32
    %dma_start3A_647 = arith.constant 0 : i32
    %dma_start3A_648 = tpu.memref_slice %arg6[%dma_start3A_646, %dma_start3A_647] : memref<1200x64xf32, #tpu.memory_space<vmem>> -> memref<50x64xf32, #tpu.memory_space<vmem>>
    tpu.enqueue_dma source(%dma_start3A_648 : memref<50x64xf32, #tpu.memory_space<vmem>>) target(%dma_start3A_645 : memref<50x64xf32, #tpu.memory_space<hbm>>) target_semaphore(%arg8 : memref<!tpu.dma_semaphore, #tpu.memory_space<semaphore_mem>>)
    %add3A_649 = arith.constant 504 : i32
    %add3A_650 = arith.addi %mul3A_2, %add3A_649 : i32
    %add3A_651 = arith.constant 1 : i32
    %add3A_652 = arith.addi %add3A_650, %add3A_651 : i32
    %dma_start3A_653 = arith.constant 50 : i32
    %dma_start3A_654 = arith.constant 0 : i32
    %dma_start3A_655 = tpu.memref_slice %arg6[%dma_start3A_653, %dma_start3A_654] : memref<1200x64xf32, #tpu.memory_space<vmem>> -> memref<50x64xf32, #tpu.memory_space<vmem>>
    %dma_start3A_656 = arith.constant 0 : i32
    %dma_start3A_657 = arith.constant 0 : i32
    %dma_start3A_658 = tpu.memref_slice %arg4[%add3A_652, %dma_start3A_656, %dma_start3A_657] : memref<16384x56x128xf32, #tpu.memory_space<hbm>> -> memref<1x50x64xf32, #tpu.memory_space<hbm>>
    %dma_start3A_659 = tpu.memref_squeeze %dma_start3A_658 : memref<1x50x64xf32, #tpu.memory_space<hbm>> -> memref<50x64xf32, #tpu.memory_space<hbm>>
    %dma_start3A_660 = arith.constant 0 : i32
    %dma_start3A_661 = arith.constant 0 : i32
    %dma_start3A_662 = tpu.memref_slice %arg4[%add3A_652, %dma_start3A_660, %dma_start3A_661] : memref<16384x56x128xf32, #tpu.memory_space<hbm>> -> memref<1x50x64xf32, #tpu.memory_space<hbm>>
    %dma_start3A_663 = tpu.memref_squeeze %dma_start3A_662 : memref<1x50x64xf32, #tpu.memory_space<hbm>> -> memref<50x64xf32, #tpu.memory_space<hbm>>
    %dma_start3A_664 = arith.constant 50 : i32
    %dma_start3A_665 = arith.constant 0 : i32
    %dma_start3A_666 = tpu.memref_slice %arg6[%dma_start3A_664, %dma_start3A_665] : memref<1200x64xf32, #tpu.memory_space<vmem>> -> memref<50x64xf32, #tpu.memory_space<vmem>>
    tpu.enqueue_dma source(%dma_start3A_666 : memref<50x64xf32, #tpu.memory_space<vmem>>) target(%dma_start3A_663 : memref<50x64xf32, #tpu.memory_space<hbm>>) target_semaphore(%arg8 : memref<!tpu.dma_semaphore, #tpu.memory_space<semaphore_mem>>)
    %add3A_667 = arith.constant 504 : i32
    %add3A_668 = arith.addi %mul3A_2, %add3A_667 : i32
    %add3A_669 = arith.constant 2 : i32
    %add3A_670 = arith.addi %add3A_668, %add3A_669 : i32
    %dma_start3A_671 = arith.constant 100 : i32
    %dma_start3A_672 = arith.constant 0 : i32
    %dma_start3A_673 = tpu.memref_slice %arg6[%dma_start3A_671, %dma_start3A_672] : memref<1200x64xf32, #tpu.memory_space<vmem>> -> memref<50x64xf32, #tpu.memory_space<vmem>>
    %dma_start3A_674 = arith.constant 0 : i32
    %dma_start3A_675 = arith.constant 0 : i32
    %dma_start3A_676 = tpu.memref_slice %arg4[%add3A_670, %dma_start3A_674, %dma_start3A_675] : memref<16384x56x128xf32, #tpu.memory_space<hbm>> -> memref<1x50x64xf32, #tpu.memory_space<hbm>>
    %dma_start3A_677 = tpu.memref_squeeze %dma_start3A_676 : memref<1x50x64xf32, #tpu.memory_space<hbm>> -> memref<50x64xf32, #tpu.memory_space<hbm>>
    %dma_start3A_678 = arith.constant 0 : i32
    %dma_start3A_679 = arith.constant 0 : i32
    %dma_start3A_680 = tpu.memref_slice %arg4[%add3A_670, %dma_start3A_678, %dma_start3A_679] : memref<16384x56x128xf32, #tpu.memory_space<hbm>> -> memref<1x50x64xf32, #tpu.memory_space<hbm>>
    %dma_start3A_681 = tpu.memref_squeeze %dma_start3A_680 : memref<1x50x64xf32, #tpu.memory_space<hbm>> -> memref<50x64xf32, #tpu.memory_space<hbm>>
    %dma_start3A_682 = arith.constant 100 : i32
    %dma_start3A_683 = arith.constant 0 : i32
    %dma_start3A_684 = tpu.memref_slice %arg6[%dma_start3A_682, %dma_start3A_683] : memref<1200x64xf32, #tpu.memory_space<vmem>> -> memref<50x64xf32, #tpu.memory_space<vmem>>
    tpu.enqueue_dma source(%dma_start3A_684 : memref<50x64xf32, #tpu.memory_space<vmem>>) target(%dma_start3A_681 : memref<50x64xf32, #tpu.memory_space<hbm>>) target_semaphore(%arg8 : memref<!tpu.dma_semaphore, #tpu.memory_space<semaphore_mem>>)
    %add3A_685 = arith.constant 504 : i32
    %add3A_686 = arith.addi %mul3A_2, %add3A_685 : i32
    %add3A_687 = arith.constant 3 : i32
    %add3A_688 = arith.addi %add3A_686, %add3A_687 : i32
    %dma_start3A_689 = arith.constant 150 : i32
    %dma_start3A_690 = arith.constant 0 : i32
    %dma_start3A_691 = tpu.memref_slice %arg6[%dma_start3A_689, %dma_start3A_690] : memref<1200x64xf32, #tpu.memory_space<vmem>> -> memref<50x64xf32, #tpu.memory_space<vmem>>
    %dma_start3A_692 = arith.constant 0 : i32
    %dma_start3A_693 = arith.constant 0 : i32
    %dma_start3A_694 = tpu.memref_slice %arg4[%add3A_688, %dma_start3A_692, %dma_start3A_693] : memref<16384x56x128xf32, #tpu.memory_space<hbm>> -> memref<1x50x64xf32, #tpu.memory_space<hbm>>
    %dma_start3A_695 = tpu.memref_squeeze %dma_start3A_694 : memref<1x50x64xf32, #tpu.memory_space<hbm>> -> memref<50x64xf32, #tpu.memory_space<hbm>>
    %dma_start3A_696 = arith.constant 0 : i32
    %dma_start3A_697 = arith.constant 0 : i32
    %dma_start3A_698 = tpu.memref_slice %arg4[%add3A_688, %dma_start3A_696, %dma_start3A_697] : memref<16384x56x128xf32, #tpu.memory_space<hbm>> -> memref<1x50x64xf32, #tpu.memory_space<hbm>>
    %dma_start3A_699 = tpu.memref_squeeze %dma_start3A_698 : memref<1x50x64xf32, #tpu.memory_space<hbm>> -> memref<50x64xf32, #tpu.memory_space<hbm>>
    %dma_start3A_700 = arith.constant 150 : i32
    %dma_start3A_701 = arith.constant 0 : i32
    %dma_start3A_702 = tpu.memref_slice %arg6[%dma_start3A_700, %dma_start3A_701] : memref<1200x64xf32, #tpu.memory_space<vmem>> -> memref<50x64xf32, #tpu.memory_space<vmem>>
    tpu.enqueue_dma source(%dma_start3A_702 : memref<50x64xf32, #tpu.memory_space<vmem>>) target(%dma_start3A_699 : memref<50x64xf32, #tpu.memory_space<hbm>>) target_semaphore(%arg8 : memref<!tpu.dma_semaphore, #tpu.memory_space<semaphore_mem>>)
    %add3A_703 = arith.constant 504 : i32
    %add3A_704 = arith.addi %mul3A_2, %add3A_703 : i32
    %add3A_705 = arith.constant 4 : i32
    %add3A_706 = arith.addi %add3A_704, %add3A_705 : i32
    %dma_start3A_707 = arith.constant 200 : i32
    %dma_start3A_708 = arith.constant 0 : i32
    %dma_start3A_709 = tpu.memref_slice %arg6[%dma_start3A_707, %dma_start3A_708] : memref<1200x64xf32, #tpu.memory_space<vmem>> -> memref<50x64xf32, #tpu.memory_space<vmem>>
    %dma_start3A_710 = arith.constant 0 : i32
    %dma_start3A_711 = arith.constant 0 : i32
    %dma_start3A_712 = tpu.memref_slice %arg4[%add3A_706, %dma_start3A_710, %dma_start3A_711] : memref<16384x56x128xf32, #tpu.memory_space<hbm>> -> memref<1x50x64xf32, #tpu.memory_space<hbm>>
    %dma_start3A_713 = tpu.memref_squeeze %dma_start3A_712 : memref<1x50x64xf32, #tpu.memory_space<hbm>> -> memref<50x64xf32, #tpu.memory_space<hbm>>
    %dma_start3A_714 = arith.constant 0 : i32
    %dma_start3A_715 = arith.constant 0 : i32
    %dma_start3A_716 = tpu.memref_slice %arg4[%add3A_706, %dma_start3A_714, %dma_start3A_715] : memref<16384x56x128xf32, #tpu.memory_space<hbm>> -> memref<1x50x64xf32, #tpu.memory_space<hbm>>
    %dma_start3A_717 = tpu.memref_squeeze %dma_start3A_716 : memref<1x50x64xf32, #tpu.memory_space<hbm>> -> memref<50x64xf32, #tpu.memory_space<hbm>>
    %dma_start3A_718 = arith.constant 200 : i32
    %dma_start3A_719 = arith.constant 0 : i32
    %dma_start3A_720 = tpu.memref_slice %arg6[%dma_start3A_718, %dma_start3A_719] : memref<1200x64xf32, #tpu.memory_space<vmem>> -> memref<50x64xf32, #tpu.memory_space<vmem>>
    tpu.enqueue_dma source(%dma_start3A_720 : memref<50x64xf32, #tpu.memory_space<vmem>>) target(%dma_start3A_717 : memref<50x64xf32, #tpu.memory_space<hbm>>) target_semaphore(%arg8 : memref<!tpu.dma_semaphore, #tpu.memory_space<semaphore_mem>>)
    %add3A_721 = arith.constant 504 : i32
    %add3A_722 = arith.addi %mul3A_2, %add3A_721 : i32
    %add3A_723 = arith.constant 5 : i32
    %add3A_724 = arith.addi %add3A_722, %add3A_723 : i32
    %dma_start3A_725 = arith.constant 250 : i32
    %dma_start3A_726 = arith.constant 0 : i32
    %dma_start3A_727 = tpu.memref_slice %arg6[%dma_start3A_725, %dma_start3A_726] : memref<1200x64xf32, #tpu.memory_space<vmem>> -> memref<50x64xf32, #tpu.memory_space<vmem>>
    %dma_start3A_728 = arith.constant 0 : i32
    %dma_start3A_729 = arith.constant 0 : i32
    %dma_start3A_730 = tpu.memref_slice %arg4[%add3A_724, %dma_start3A_728, %dma_start3A_729] : memref<16384x56x128xf32, #tpu.memory_space<hbm>> -> memref<1x50x64xf32, #tpu.memory_space<hbm>>
    %dma_start3A_731 = tpu.memref_squeeze %dma_start3A_730 : memref<1x50x64xf32, #tpu.memory_space<hbm>> -> memref<50x64xf32, #tpu.memory_space<hbm>>
    %dma_start3A_732 = arith.constant 0 : i32
    %dma_start3A_733 = arith.constant 0 : i32
    %dma_start3A_734 = tpu.memref_slice %arg4[%add3A_724, %dma_start3A_732, %dma_start3A_733] : memref<16384x56x128xf32, #tpu.memory_space<hbm>> -> memref<1x50x64xf32, #tpu.memory_space<hbm>>
    %dma_start3A_735 = tpu.memref_squeeze %dma_start3A_734 : memref<1x50x64xf32, #tpu.memory_space<hbm>> -> memref<50x64xf32, #tpu.memory_space<hbm>>
    %dma_start3A_736 = arith.constant 250 : i32
    %dma_start3A_737 = arith.constant 0 : i32
    %dma_start3A_738 = tpu.memref_slice %arg6[%dma_start3A_736, %dma_start3A_737] : memref<1200x64xf32, #tpu.memory_space<vmem>> -> memref<50x64xf32, #tpu.memory_space<vmem>>
    tpu.enqueue_dma source(%dma_start3A_738 : memref<50x64xf32, #tpu.memory_space<vmem>>) target(%dma_start3A_735 : memref<50x64xf32, #tpu.memory_space<hbm>>) target_semaphore(%arg8 : memref<!tpu.dma_semaphore, #tpu.memory_space<semaphore_mem>>)
    %add3A_739 = arith.constant 504 : i32
    %add3A_740 = arith.addi %mul3A_2, %add3A_739 : i32
    %add3A_741 = arith.constant 6 : i32
    %add3A_742 = arith.addi %add3A_740, %add3A_741 : i32
    %dma_start3A_743 = arith.constant 300 : i32
    %dma_start3A_744 = arith.constant 0 : i32
    %dma_start3A_745 = tpu.memref_slice %arg6[%dma_start3A_743, %dma_start3A_744] : memref<1200x64xf32, #tpu.memory_space<vmem>> -> memref<50x64xf32, #tpu.memory_space<vmem>>
    %dma_start3A_746 = arith.constant 0 : i32
    %dma_start3A_747 = arith.constant 0 : i32
    %dma_start3A_748 = tpu.memref_slice %arg4[%add3A_742, %dma_start3A_746, %dma_start3A_747] : memref<16384x56x128xf32, #tpu.memory_space<hbm>> -> memref<1x50x64xf32, #tpu.memory_space<hbm>>
    %dma_start3A_749 = tpu.memref_squeeze %dma_start3A_748 : memref<1x50x64xf32, #tpu.memory_space<hbm>> -> memref<50x64xf32, #tpu.memory_space<hbm>>
    %dma_start3A_750 = arith.constant 0 : i32
    %dma_start3A_751 = arith.constant 0 : i32
    %dma_start3A_752 = tpu.memref_slice %arg4[%add3A_742, %dma_start3A_750, %dma_start3A_751] : memref<16384x56x128xf32, #tpu.memory_space<hbm>> -> memref<1x50x64xf32, #tpu.memory_space<hbm>>
    %dma_start3A_753 = tpu.memref_squeeze %dma_start3A_752 : memref<1x50x64xf32, #tpu.memory_space<hbm>> -> memref<50x64xf32, #tpu.memory_space<hbm>>
    %dma_start3A_754 = arith.constant 300 : i32
    %dma_start3A_755 = arith.constant 0 : i32
    %dma_start3A_756 = tpu.memref_slice %arg6[%dma_start3A_754, %dma_start3A_755] : memref<1200x64xf32, #tpu.memory_space<vmem>> -> memref<50x64xf32, #tpu.memory_space<vmem>>
    tpu.enqueue_dma source(%dma_start3A_756 : memref<50x64xf32, #tpu.memory_space<vmem>>) target(%dma_start3A_753 : memref<50x64xf32, #tpu.memory_space<hbm>>) target_semaphore(%arg8 : memref<!tpu.dma_semaphore, #tpu.memory_space<semaphore_mem>>)
    %add3A_757 = arith.constant 504 : i32
    %add3A_758 = arith.addi %mul3A_2, %add3A_757 : i32
    %add3A_759 = arith.constant 7 : i32
    %add3A_760 = arith.addi %add3A_758, %add3A_759 : i32
    %dma_start3A_761 = arith.constant 350 : i32
    %dma_start3A_762 = arith.constant 0 : i32
    %dma_start3A_763 = tpu.memref_slice %arg6[%dma_start3A_761, %dma_start3A_762] : memref<1200x64xf32, #tpu.memory_space<vmem>> -> memref<50x64xf32, #tpu.memory_space<vmem>>
    %dma_start3A_764 = arith.constant 0 : i32
    %dma_start3A_765 = arith.constant 0 : i32
    %dma_start3A_766 = tpu.memref_slice %arg4[%add3A_760, %dma_start3A_764, %dma_start3A_765] : memref<16384x56x128xf32, #tpu.memory_space<hbm>> -> memref<1x50x64xf32, #tpu.memory_space<hbm>>
    %dma_start3A_767 = tpu.memref_squeeze %dma_start3A_766 : memref<1x50x64xf32, #tpu.memory_space<hbm>> -> memref<50x64xf32, #tpu.memory_space<hbm>>
    %dma_start3A_768 = arith.constant 0 : i32
    %dma_start3A_769 = arith.constant 0 : i32
    %dma_start3A_770 = tpu.memref_slice %arg4[%add3A_760, %dma_start3A_768, %dma_start3A_769] : memref<16384x56x128xf32, #tpu.memory_space<hbm>> -> memref<1x50x64xf32, #tpu.memory_space<hbm>>
    %dma_start3A_771 = tpu.memref_squeeze %dma_start3A_770 : memref<1x50x64xf32, #tpu.memory_space<hbm>> -> memref<50x64xf32, #tpu.memory_space<hbm>>
    %dma_start3A_772 = arith.constant 350 : i32
    %dma_start3A_773 = arith.constant 0 : i32
    %dma_start3A_774 = tpu.memref_slice %arg6[%dma_start3A_772, %dma_start3A_773] : memref<1200x64xf32, #tpu.memory_space<vmem>> -> memref<50x64xf32, #tpu.memory_space<vmem>>
    tpu.enqueue_dma source(%dma_start3A_774 : memref<50x64xf32, #tpu.memory_space<vmem>>) target(%dma_start3A_771 : memref<50x64xf32, #tpu.memory_space<hbm>>) target_semaphore(%arg8 : memref<!tpu.dma_semaphore, #tpu.memory_space<semaphore_mem>>)
    %add3A_775 = arith.constant 504 : i32
    %add3A_776 = arith.addi %mul3A_2, %add3A_775 : i32
    %add3A_777 = arith.constant 0 : i32
    %add3A_778 = arith.addi %add3A_776, %add3A_777 : i32
    %dma_wait3A_779 = arith.constant 0 : i32
    %dma_wait3A_780 = arith.constant 0 : i32
    %dma_wait3A_781 = tpu.memref_slice %arg6[%dma_wait3A_779, %dma_wait3A_780] : memref<1200x64xf32, #tpu.memory_space<vmem>> -> memref<50x64xf32, #tpu.memory_space<vmem>>
    %dma_wait3A_782 = arith.constant 0 : i32
    %dma_wait3A_783 = arith.constant 0 : i32
    %dma_wait3A_784 = tpu.memref_slice %arg4[%add3A_778, %dma_wait3A_782, %dma_wait3A_783] : memref<16384x56x128xf32, #tpu.memory_space<hbm>> -> memref<1x50x64xf32, #tpu.memory_space<hbm>>
    %dma_wait3A_785 = tpu.memref_squeeze %dma_wait3A_784 : memref<1x50x64xf32, #tpu.memory_space<hbm>> -> memref<50x64xf32, #tpu.memory_space<hbm>>
    %dma_wait3A_786 = arith.constant 0 : i32
    %dma_wait3A_787 = arith.constant 0 : i32
    %dma_wait3A_788 = tpu.memref_slice %arg4[%add3A_778, %dma_wait3A_786, %dma_wait3A_787] : memref<16384x56x128xf32, #tpu.memory_space<hbm>> -> memref<1x50x64xf32, #tpu.memory_space<hbm>>
    %dma_wait3A_789 = tpu.memref_squeeze %dma_wait3A_788 : memref<1x50x64xf32, #tpu.memory_space<hbm>> -> memref<50x64xf32, #tpu.memory_space<hbm>>
    %dma_wait3A_790 = arith.constant 0 : i32
    %dma_wait3A_791 = arith.constant 0 : i32
    %dma_wait3A_792 = tpu.memref_slice %arg6[%dma_wait3A_790, %dma_wait3A_791] : memref<1200x64xf32, #tpu.memory_space<vmem>> -> memref<50x64xf32, #tpu.memory_space<vmem>>
    tpu.wait_dma2 semaphore(%arg8 : memref<!tpu.dma_semaphore, #tpu.memory_space<semaphore_mem>>) src(%dma_wait3A_792 : memref<50x64xf32, #tpu.memory_space<vmem>>) dst(%dma_wait3A_789 : memref<50x64xf32, #tpu.memory_space<hbm>>)
    %add3A_793 = arith.constant 504 : i32
    %add3A_794 = arith.addi %mul3A_2, %add3A_793 : i32
    %add3A_795 = arith.constant 1 : i32
    %add3A_796 = arith.addi %add3A_794, %add3A_795 : i32
    %dma_wait3A_797 = arith.constant 50 : i32
    %dma_wait3A_798 = arith.constant 0 : i32
    %dma_wait3A_799 = tpu.memref_slice %arg6[%dma_wait3A_797, %dma_wait3A_798] : memref<1200x64xf32, #tpu.memory_space<vmem>> -> memref<50x64xf32, #tpu.memory_space<vmem>>
    %dma_wait3A_800 = arith.constant 0 : i32
    %dma_wait3A_801 = arith.constant 0 : i32
    %dma_wait3A_802 = tpu.memref_slice %arg4[%add3A_796, %dma_wait3A_800, %dma_wait3A_801] : memref<16384x56x128xf32, #tpu.memory_space<hbm>> -> memref<1x50x64xf32, #tpu.memory_space<hbm>>
    %dma_wait3A_803 = tpu.memref_squeeze %dma_wait3A_802 : memref<1x50x64xf32, #tpu.memory_space<hbm>> -> memref<50x64xf32, #tpu.memory_space<hbm>>
    %dma_wait3A_804 = arith.constant 0 : i32
    %dma_wait3A_805 = arith.constant 0 : i32
    %dma_wait3A_806 = tpu.memref_slice %arg4[%add3A_796, %dma_wait3A_804, %dma_wait3A_805] : memref<16384x56x128xf32, #tpu.memory_space<hbm>> -> memref<1x50x64xf32, #tpu.memory_space<hbm>>
    %dma_wait3A_807 = tpu.memref_squeeze %dma_wait3A_806 : memref<1x50x64xf32, #tpu.memory_space<hbm>> -> memref<50x64xf32, #tpu.memory_space<hbm>>
    %dma_wait3A_808 = arith.constant 50 : i32
    %dma_wait3A_809 = arith.constant 0 : i32
    %dma_wait3A_810 = tpu.memref_slice %arg6[%dma_wait3A_808, %dma_wait3A_809] : memref<1200x64xf32, #tpu.memory_space<vmem>> -> memref<50x64xf32, #tpu.memory_space<vmem>>
    tpu.wait_dma2 semaphore(%arg8 : memref<!tpu.dma_semaphore, #tpu.memory_space<semaphore_mem>>) src(%dma_wait3A_810 : memref<50x64xf32, #tpu.memory_space<vmem>>) dst(%dma_wait3A_807 : memref<50x64xf32, #tpu.memory_space<hbm>>)
    %add3A_811 = arith.constant 504 : i32
    %add3A_812 = arith.addi %mul3A_2, %add3A_811 : i32
    %add3A_813 = arith.constant 2 : i32
    %add3A_814 = arith.addi %add3A_812, %add3A_813 : i32
    %dma_wait3A_815 = arith.constant 100 : i32
    %dma_wait3A_816 = arith.constant 0 : i32
    %dma_wait3A_817 = tpu.memref_slice %arg6[%dma_wait3A_815, %dma_wait3A_816] : memref<1200x64xf32, #tpu.memory_space<vmem>> -> memref<50x64xf32, #tpu.memory_space<vmem>>
    %dma_wait3A_818 = arith.constant 0 : i32
    %dma_wait3A_819 = arith.constant 0 : i32
    %dma_wait3A_820 = tpu.memref_slice %arg4[%add3A_814, %dma_wait3A_818, %dma_wait3A_819] : memref<16384x56x128xf32, #tpu.memory_space<hbm>> -> memref<1x50x64xf32, #tpu.memory_space<hbm>>
    %dma_wait3A_821 = tpu.memref_squeeze %dma_wait3A_820 : memref<1x50x64xf32, #tpu.memory_space<hbm>> -> memref<50x64xf32, #tpu.memory_space<hbm>>
    %dma_wait3A_822 = arith.constant 0 : i32
    %dma_wait3A_823 = arith.constant 0 : i32
    %dma_wait3A_824 = tpu.memref_slice %arg4[%add3A_814, %dma_wait3A_822, %dma_wait3A_823] : memref<16384x56x128xf32, #tpu.memory_space<hbm>> -> memref<1x50x64xf32, #tpu.memory_space<hbm>>
    %dma_wait3A_825 = tpu.memref_squeeze %dma_wait3A_824 : memref<1x50x64xf32, #tpu.memory_space<hbm>> -> memref<50x64xf32, #tpu.memory_space<hbm>>
    %dma_wait3A_826 = arith.constant 100 : i32
    %dma_wait3A_827 = arith.constant 0 : i32
    %dma_wait3A_828 = tpu.memref_slice %arg6[%dma_wait3A_826, %dma_wait3A_827] : memref<1200x64xf32, #tpu.memory_space<vmem>> -> memref<50x64xf32, #tpu.memory_space<vmem>>
    tpu.wait_dma2 semaphore(%arg8 : memref<!tpu.dma_semaphore, #tpu.memory_space<semaphore_mem>>) src(%dma_wait3A_828 : memref<50x64xf32, #tpu.memory_space<vmem>>) dst(%dma_wait3A_825 : memref<50x64xf32, #tpu.memory_space<hbm>>)
    %add3A_829 = arith.constant 504 : i32
    %add3A_830 = arith.addi %mul3A_2, %add3A_829 : i32
    %add3A_831 = arith.constant 3 : i32
    %add3A_832 = arith.addi %add3A_830, %add3A_831 : i32
    %dma_wait3A_833 = arith.constant 150 : i32
    %dma_wait3A_834 = arith.constant 0 : i32
    %dma_wait3A_835 = tpu.memref_slice %arg6[%dma_wait3A_833, %dma_wait3A_834] : memref<1200x64xf32, #tpu.memory_space<vmem>> -> memref<50x64xf32, #tpu.memory_space<vmem>>
    %dma_wait3A_836 = arith.constant 0 : i32
    %dma_wait3A_837 = arith.constant 0 : i32
    %dma_wait3A_838 = tpu.memref_slice %arg4[%add3A_832, %dma_wait3A_836, %dma_wait3A_837] : memref<16384x56x128xf32, #tpu.memory_space<hbm>> -> memref<1x50x64xf32, #tpu.memory_space<hbm>>
    %dma_wait3A_839 = tpu.memref_squeeze %dma_wait3A_838 : memref<1x50x64xf32, #tpu.memory_space<hbm>> -> memref<50x64xf32, #tpu.memory_space<hbm>>
    %dma_wait3A_840 = arith.constant 0 : i32
    %dma_wait3A_841 = arith.constant 0 : i32
    %dma_wait3A_842 = tpu.memref_slice %arg4[%add3A_832, %dma_wait3A_840, %dma_wait3A_841] : memref<16384x56x128xf32, #tpu.memory_space<hbm>> -> memref<1x50x64xf32, #tpu.memory_space<hbm>>
    %dma_wait3A_843 = tpu.memref_squeeze %dma_wait3A_842 : memref<1x50x64xf32, #tpu.memory_space<hbm>> -> memref<50x64xf32, #tpu.memory_space<hbm>>
    %dma_wait3A_844 = arith.constant 150 : i32
    %dma_wait3A_845 = arith.constant 0 : i32
    %dma_wait3A_846 = tpu.memref_slice %arg6[%dma_wait3A_844, %dma_wait3A_845] : memref<1200x64xf32, #tpu.memory_space<vmem>> -> memref<50x64xf32, #tpu.memory_space<vmem>>
    tpu.wait_dma2 semaphore(%arg8 : memref<!tpu.dma_semaphore, #tpu.memory_space<semaphore_mem>>) src(%dma_wait3A_846 : memref<50x64xf32, #tpu.memory_space<vmem>>) dst(%dma_wait3A_843 : memref<50x64xf32, #tpu.memory_space<hbm>>)
    %add3A_847 = arith.constant 504 : i32
    %add3A_848 = arith.addi %mul3A_2, %add3A_847 : i32
    %add3A_849 = arith.constant 4 : i32
    %add3A_850 = arith.addi %add3A_848, %add3A_849 : i32
    %dma_wait3A_851 = arith.constant 200 : i32
    %dma_wait3A_852 = arith.constant 0 : i32
    %dma_wait3A_853 = tpu.memref_slice %arg6[%dma_wait3A_851, %dma_wait3A_852] : memref<1200x64xf32, #tpu.memory_space<vmem>> -> memref<50x64xf32, #tpu.memory_space<vmem>>
    %dma_wait3A_854 = arith.constant 0 : i32
    %dma_wait3A_855 = arith.constant 0 : i32
    %dma_wait3A_856 = tpu.memref_slice %arg4[%add3A_850, %dma_wait3A_854, %dma_wait3A_855] : memref<16384x56x128xf32, #tpu.memory_space<hbm>> -> memref<1x50x64xf32, #tpu.memory_space<hbm>>
    %dma_wait3A_857 = tpu.memref_squeeze %dma_wait3A_856 : memref<1x50x64xf32, #tpu.memory_space<hbm>> -> memref<50x64xf32, #tpu.memory_space<hbm>>
    %dma_wait3A_858 = arith.constant 0 : i32
    %dma_wait3A_859 = arith.constant 0 : i32
    %dma_wait3A_860 = tpu.memref_slice %arg4[%add3A_850, %dma_wait3A_858, %dma_wait3A_859] : memref<16384x56x128xf32, #tpu.memory_space<hbm>> -> memref<1x50x64xf32, #tpu.memory_space<hbm>>
    %dma_wait3A_861 = tpu.memref_squeeze %dma_wait3A_860 : memref<1x50x64xf32, #tpu.memory_space<hbm>> -> memref<50x64xf32, #tpu.memory_space<hbm>>
    %dma_wait3A_862 = arith.constant 200 : i32
    %dma_wait3A_863 = arith.constant 0 : i32
    %dma_wait3A_864 = tpu.memref_slice %arg6[%dma_wait3A_862, %dma_wait3A_863] : memref<1200x64xf32, #tpu.memory_space<vmem>> -> memref<50x64xf32, #tpu.memory_space<vmem>>
    tpu.wait_dma2 semaphore(%arg8 : memref<!tpu.dma_semaphore, #tpu.memory_space<semaphore_mem>>) src(%dma_wait3A_864 : memref<50x64xf32, #tpu.memory_space<vmem>>) dst(%dma_wait3A_861 : memref<50x64xf32, #tpu.memory_space<hbm>>)
    %add3A_865 = arith.constant 504 : i32
    %add3A_866 = arith.addi %mul3A_2, %add3A_865 : i32
    %add3A_867 = arith.constant 5 : i32
    %add3A_868 = arith.addi %add3A_866, %add3A_867 : i32
    %dma_wait3A_869 = arith.constant 250 : i32
    %dma_wait3A_870 = arith.constant 0 : i32
    %dma_wait3A_871 = tpu.memref_slice %arg6[%dma_wait3A_869, %dma_wait3A_870] : memref<1200x64xf32, #tpu.memory_space<vmem>> -> memref<50x64xf32, #tpu.memory_space<vmem>>
    %dma_wait3A_872 = arith.constant 0 : i32
    %dma_wait3A_873 = arith.constant 0 : i32
    %dma_wait3A_874 = tpu.memref_slice %arg4[%add3A_868, %dma_wait3A_872, %dma_wait3A_873] : memref<16384x56x128xf32, #tpu.memory_space<hbm>> -> memref<1x50x64xf32, #tpu.memory_space<hbm>>
    %dma_wait3A_875 = tpu.memref_squeeze %dma_wait3A_874 : memref<1x50x64xf32, #tpu.memory_space<hbm>> -> memref<50x64xf32, #tpu.memory_space<hbm>>
    %dma_wait3A_876 = arith.constant 0 : i32
    %dma_wait3A_877 = arith.constant 0 : i32
    %dma_wait3A_878 = tpu.memref_slice %arg4[%add3A_868, %dma_wait3A_876, %dma_wait3A_877] : memref<16384x56x128xf32, #tpu.memory_space<hbm>> -> memref<1x50x64xf32, #tpu.memory_space<hbm>>
    %dma_wait3A_879 = tpu.memref_squeeze %dma_wait3A_878 : memref<1x50x64xf32, #tpu.memory_space<hbm>> -> memref<50x64xf32, #tpu.memory_space<hbm>>
    %dma_wait3A_880 = arith.constant 250 : i32
    %dma_wait3A_881 = arith.constant 0 : i32
    %dma_wait3A_882 = tpu.memref_slice %arg6[%dma_wait3A_880, %dma_wait3A_881] : memref<1200x64xf32, #tpu.memory_space<vmem>> -> memref<50x64xf32, #tpu.memory_space<vmem>>
    tpu.wait_dma2 semaphore(%arg8 : memref<!tpu.dma_semaphore, #tpu.memory_space<semaphore_mem>>) src(%dma_wait3A_882 : memref<50x64xf32, #tpu.memory_space<vmem>>) dst(%dma_wait3A_879 : memref<50x64xf32, #tpu.memory_space<hbm>>)
    %add3A_883 = arith.constant 504 : i32
    %add3A_884 = arith.addi %mul3A_2, %add3A_883 : i32
    %add3A_885 = arith.constant 6 : i32
    %add3A_886 = arith.addi %add3A_884, %add3A_885 : i32
    %dma_wait3A_887 = arith.constant 300 : i32
    %dma_wait3A_888 = arith.constant 0 : i32
    %dma_wait3A_889 = tpu.memref_slice %arg6[%dma_wait3A_887, %dma_wait3A_888] : memref<1200x64xf32, #tpu.memory_space<vmem>> -> memref<50x64xf32, #tpu.memory_space<vmem>>
    %dma_wait3A_890 = arith.constant 0 : i32
    %dma_wait3A_891 = arith.constant 0 : i32
    %dma_wait3A_892 = tpu.memref_slice %arg4[%add3A_886, %dma_wait3A_890, %dma_wait3A_891] : memref<16384x56x128xf32, #tpu.memory_space<hbm>> -> memref<1x50x64xf32, #tpu.memory_space<hbm>>
    %dma_wait3A_893 = tpu.memref_squeeze %dma_wait3A_892 : memref<1x50x64xf32, #tpu.memory_space<hbm>> -> memref<50x64xf32, #tpu.memory_space<hbm>>
    %dma_wait3A_894 = arith.constant 0 : i32
    %dma_wait3A_895 = arith.constant 0 : i32
    %dma_wait3A_896 = tpu.memref_slice %arg4[%add3A_886, %dma_wait3A_894, %dma_wait3A_895] : memref<16384x56x128xf32, #tpu.memory_space<hbm>> -> memref<1x50x64xf32, #tpu.memory_space<hbm>>
    %dma_wait3A_897 = tpu.memref_squeeze %dma_wait3A_896 : memref<1x50x64xf32, #tpu.memory_space<hbm>> -> memref<50x64xf32, #tpu.memory_space<hbm>>
    %dma_wait3A_898 = arith.constant 300 : i32
    %dma_wait3A_899 = arith.constant 0 : i32
    %dma_wait3A_900 = tpu.memref_slice %arg6[%dma_wait3A_898, %dma_wait3A_899] : memref<1200x64xf32, #tpu.memory_space<vmem>> -> memref<50x64xf32, #tpu.memory_space<vmem>>
    tpu.wait_dma2 semaphore(%arg8 : memref<!tpu.dma_semaphore, #tpu.memory_space<semaphore_mem>>) src(%dma_wait3A_900 : memref<50x64xf32, #tpu.memory_space<vmem>>) dst(%dma_wait3A_897 : memref<50x64xf32, #tpu.memory_space<hbm>>)
    %add3A_901 = arith.constant 504 : i32
    %add3A_902 = arith.addi %mul3A_2, %add3A_901 : i32
    %add3A_903 = arith.constant 7 : i32
    %add3A_904 = arith.addi %add3A_902, %add3A_903 : i32
    %dma_wait3A_905 = arith.constant 350 : i32
    %dma_wait3A_906 = arith.constant 0 : i32
    %dma_wait3A_907 = tpu.memref_slice %arg6[%dma_wait3A_905, %dma_wait3A_906] : memref<1200x64xf32, #tpu.memory_space<vmem>> -> memref<50x64xf32, #tpu.memory_space<vmem>>
    %dma_wait3A_908 = arith.constant 0 : i32
    %dma_wait3A_909 = arith.constant 0 : i32
    %dma_wait3A_910 = tpu.memref_slice %arg4[%add3A_904, %dma_wait3A_908, %dma_wait3A_909] : memref<16384x56x128xf32, #tpu.memory_space<hbm>> -> memref<1x50x64xf32, #tpu.memory_space<hbm>>
    %dma_wait3A_911 = tpu.memref_squeeze %dma_wait3A_910 : memref<1x50x64xf32, #tpu.memory_space<hbm>> -> memref<50x64xf32, #tpu.memory_space<hbm>>
    %dma_wait3A_912 = arith.constant 0 : i32
    %dma_wait3A_913 = arith.constant 0 : i32
    %dma_wait3A_914 = tpu.memref_slice %arg4[%add3A_904, %dma_wait3A_912, %dma_wait3A_913] : memref<16384x56x128xf32, #tpu.memory_space<hbm>> -> memref<1x50x64xf32, #tpu.memory_space<hbm>>
    %dma_wait3A_915 = tpu.memref_squeeze %dma_wait3A_914 : memref<1x50x64xf32, #tpu.memory_space<hbm>> -> memref<50x64xf32, #tpu.memory_space<hbm>>
    %dma_wait3A_916 = arith.constant 350 : i32
    %dma_wait3A_917 = arith.constant 0 : i32
    %dma_wait3A_918 = tpu.memref_slice %arg6[%dma_wait3A_916, %dma_wait3A_917] : memref<1200x64xf32, #tpu.memory_space<vmem>> -> memref<50x64xf32, #tpu.memory_space<vmem>>
    tpu.wait_dma2 semaphore(%arg8 : memref<!tpu.dma_semaphore, #tpu.memory_space<semaphore_mem>>) src(%dma_wait3A_918 : memref<50x64xf32, #tpu.memory_space<vmem>>) dst(%dma_wait3A_915 : memref<50x64xf32, #tpu.memory_space<hbm>>)
    return
  }
}

</mosaic_0001>

<sc_bundles>
// kernel: kernel.3.cloned.1.call-start
scs
__scs_entry_jumppad:
0x0: {  	(pc) =	sbr.rel $0x88, $3  }
0x1: {  	(tag) =	ssettag $0x0;
	lr =	simm.s32 $0x1  }
0x2: {  	[smem:$0x3F9F] =	sst lr;
	_ =	strace $0xD0000000  }
0x3: {  	_ = 	snop  }
0x4: {  	_ = 	snop  }
0x5: {  	_ = 	snop  }
0x6: {  	_ = 	snop  }
0x7: {  	_ = 	snop  }
__scs_overlays_trampoline_lowered:
0x8: {  	[smem:$0x3FAE] =	sst s0  }
0x9: {  	[smem:$0x3FAF] =	sst s1  }
0xa: {  	[smem:$0x3FB0] =	sst s2  }
0xb: {  	[smem:$0x3FB1] =	sst s3  }
0xc: {  	[smem:$0x3FB2] =	sst s4  }
0xd: {  	[smem:$0x3FB3] =	sst s5  }
0xe: {  	[smem:$0x3FB4] =	sst s6  }
0xf: {  	[smem:$0x3FB5] =	sst s7  }
0x10: {  	[smem:$0x3FB6] =	sst s8  }
0x11: {  	[smem:$0x3FB7] =	sst s9;
	s0 =	simm.s32 @!p0 $0x0  }
0x12: {  	s1 =	sld [smem:$0x3F9D];
	s0 =	simm.s32 @p0 $0x1  }
0x13: {  	[smem:$0x3FB8] =	sst s0;
	s0 =	simm.s32 @!p1 $0x0  }
0x14: {  	s2 =	sld [smem:$0x3F9C];
	s0 =	simm.s32 @p1 $0x1  }
0x15: {  	[smem:$0x3FB9] =	sst s0;
	s0 =	simm.s32 @!p2 $0x0  }
0x16: {  	s3 =	sld [smem:$0x3FDB];
	s0 =	simm.s32 @p2 $0x1  }
0x17: {  	s4 =	simm.s32 $0x1BF5;
	[smem:$0x3FBB] =	sst s0  }
0x18: {  	s0 =	sld [smem:$0x3F9E];
	_ =	swait.ge [sflag:s4], $0x0  }
0x19: {  	s7 =	sld [smem:$0x3F9F]  }
0x1a: {  	s8 =	sadd.s32 $0xFFFFE003, lr  }
0x1b: {  	s9 =	sadd.s32 $0xFFFFFEF7, lr;
	s5 =	simm.s32 $0xFFFFFFFF;
	p2 =	slt.u32 s8, $0xFFFFF086  }
0x1c: {  	p1 =	slt.u32 s9, $0xF7A;
	s5 =	simm.s32 @!p2 $0x0  }
0x1d: {  	s5 =	simm.s32 @p1 $0x1;
	p0 =	seq.s32 s7, s2  }
0x1e: {  	s7 =	smul.u32 @!p0 $0xF7A, s2;
	p2 =	seq.s32 @!p0 s5, $0x0  }
0x1f: {  	s9 =	smul.u32 $0xF7A, s1;
	s8 =	simm.s32 @!p0 $0x1BF5;
	p2 =	por !p2, p0  }
0x20: {  	[sflag:s8] =	ssyncset.s32 @!p0 $0xFFFFF086;
	s6 =	sadd.s32 @!p0 s3, s7;
	s7 =	simm.s32 @!p0 $0x108  }
0x21: {  	s3 =	sadd.s32 s3, s9;
	s6 =	sadd.s32 @!p0 $0x88, s6;
	s7 =	simm.s32 @p2 $0x1082  }
0x22: {  	[simem:s7], [sflag:s8] =	dma.local @!p0 [hbm:s6], $0xF7A  }
0x23: {  	s9 =	sor.u32 $0xD0000000, s2;
	s6 =	simm.s32 $0x108;
	_ =	swait.ge @!p0 [sflag:s8], $0x0  }
0x24: {  	s3 =	sadd.s32 $0x88, s3;
	s6 =	simm.s32 @!p1 $0x1082;
	[sflag:s4] =	ssyncset.s32 $0xFFFFF086  }
0x25: {  	[simem:s6], [sflag:s4] =	dma.local [hbm:s3], $0xF7A  }
0x26: {  	[smem:$0x3F9F] =	sst s1;
	(tag) =	ssettag s2;
	_ =	strace s9  }
0x27: {  	s1 =	sld [smem:$0x3FAF]  }
0x28: {  	s2 =	sld [smem:$0x3FB0]  }
0x29: {  	s4 =	sld [smem:$0x3FB2]  }
0x2a: {  	p0 =	seq.s32 s5, $0x0;
	s5 =	sld [smem:$0x3FB3]  }
0x2b: {  	s6 =	sld [smem:$0x3FB4]  }
0x2c: {  	s7 =	sld [smem:$0x3FB5]  }
0x2d: {  	s3 =	simm.s32 $0x108;
	s8 =	sld [smem:$0x3FB6]  }
0x2e: {  	s3 =	simm.s32 @!p0 $0x1082;
	s9 =	sld [smem:$0x3FB7]  }
0x2f: {  	lr =	sadd.s32 s0, s3;
	s0 =	sld [smem:$0x3FAE]  }
0x30: {  	s3 =	sld [smem:$0x3FB1]  }
0x31: {  	[smem:$0x3FBA] =	sst s10  }
0x32: {  	s10 =	sld [smem:$0x3FB8];
	_ =	sdelay $0x3  }
0x33: {  	p0 =	seq.s32 s10, $0x1;
	s10 =	sld [smem:$0x3FBA];
	_ =	sdelay $0x3  }
0x34: {  	[smem:$0x3FBA] =	sst s10  }
0x35: {  	s10 =	sld [smem:$0x3FB9];
	_ =	sdelay $0x3  }
0x36: {  	p1 =	seq.s32 s10, $0x1;
	s10 =	sld [smem:$0x3FBA];
	_ =	sdelay $0x3  }
0x37: {  	[smem:$0x3FBA] =	sst s10  }
0x38: {  	s10 =	sld [smem:$0x3FBB]  }
0x39: {  	_ = 	snop;
	(pc) =	sbr.ind lr, $3  }
0x3a: {  	_ = 	snop  }
0x3b: {  	_ = 	snop  }
0x3c: {  	p2 =	seq.s32 s10, $0x1;
	s10 =	sld [smem:$0x3FBA]  }
0x3d: {  	_ =	shalt  }
0x3e: {  	_ =	shalt  }
0x3f: {  	_ =	shalt  }
0x40: {  	_ =	shalt  }
0x41: {  	_ =	shalt  }
0x42: {  	_ =	shalt  }
0x43: {  	_ =	shalt  }
0x44: {  	_ =	shalt  }
0x45: {  	_ =	shalt  }
0x46: {  	_ =	shalt  }
0x47: {  	_ =	shalt  }
0x48: {  	_ =	shalt  }
0x49: {  	_ =	shalt  }
0x4a: {  	_ =	shalt  }
0x4b: {  	_ =	shalt  }
0x4c: {  	_ =	shalt  }
0x4d: {  	_ =	shalt  }
0x4e: {  	_ =	shalt  }
0x4f: {  	_ =	shalt  }
0x50: {  	_ =	shalt  }
0x51: {  	_ =	shalt  }
0x52: {  	_ =	shalt  }
0x53: {  	_ =	shalt  }
0x54: {  	_ =	shalt  }
0x55: {  	_ =	shalt  }
0x56: {  	_ =	shalt  }
0x57: {  	_ =	shalt  }
0x58: {  	_ =	shalt  }
0x59: {  	_ =	shalt  }
0x5a: {  	_ =	shalt  }
0x5b: {  	_ =	shalt  }
0x5c: {  	_ =	shalt  }
0x5d: {  	_ =	shalt  }
0x5e: {  	_ =	shalt  }
0x5f: {  	_ =	shalt  }
0x60: {  	_ =	shalt  }
0x61: {  	_ =	shalt  }
0x62: {  	_ =	shalt  }
0x63: {  	_ =	shalt  }
0x64: {  	_ =	shalt  }
0x65: {  	_ =	shalt  }
0x66: {  	_ =	shalt  }
0x67: {  	_ =	shalt  }
0x68: {  	_ =	shalt  }
0x69: {  	_ =	shalt  }
0x6a: {  	_ =	shalt  }
0x6b: {  	_ =	shalt  }
0x6c: {  	_ =	shalt  }
0x6d: {  	_ =	shalt  }
0x6e: {  	_ =	shalt  }
0x6f: {  	_ =	shalt  }
0x70: {  	_ =	shalt  }
0x71: {  	_ =	shalt  }
0x72: {  	_ =	shalt  }
0x73: {  	_ =	shalt  }
0x74: {  	_ =	shalt  }
0x75: {  	_ =	shalt  }
0x76: {  	_ =	shalt  }
0x77: {  	_ =	shalt  }
0x78: {  	_ =	shalt  }
0x79: {  	_ =	shalt  }
0x7a: {  	_ =	shalt  }
0x7b: {  	_ =	shalt  }
0x7c: {  	_ =	shalt  }
0x7d: {  	_ =	shalt  }
0x7e: {  	_ =	shalt  }
0x7f: {  	_ =	shalt  }
0x80: {  	_ =	shalt  }
0x81: {  	_ =	shalt  }
0x82: {  	_ =	shalt  }
0x83: {  	_ =	shalt  }
0x84: {  	_ =	shalt  }
0x85: {  	_ =	shalt  }
0x86: {  	_ =	shalt  }
0x87: {  	_ =	shalt  }
.Lfunc_end0:
.L_simem_size_0:
called_computation.1_lowered:
.L_overlay_start_0:
0x88: {  	s2 =	sld [smem:$0x3FD9]  }
0x89: {  	s3 =	sld [smem:$0x3FFE];
	_ =	sdelay $0x1  }
0x8a: {  	s1 =	srdreg.scid  }
0x8b: {  	s0 =	sand.u32 $0x1, s1  }
0x8c: {  	s17 =	sshll.u32 s0, $0xA;
	s2 =	sadd.s32 s3, s2  }
0x8d: {  	s2 =	sadd.s32 s2, s17  }
0x8e: {  	[smem:$0x3FC6] =	sst s2  }
0x8f: {  	_ = 	snop  }
0x90: {  	s2 =	sld [smem:$0x3FD0];
	(tm) =	ssettm $0x1  }
0x91: {  	s18 =	sld [smem:$0x3FFB];
	_ =	sdelay $0x3  }
0x92: {  	_ =	strace s18  }
0x93: {  	s3 =	sld [smem:$0x3FFC];
	_ =	sdelay $0x3  }
0x94: {  	_ =	strace s3  }
0x95: {  	s3 =	sld [smem:$0x3FFD];
	_ =	sdelay $0x3  }
0x96: {  	_ =	strace s3  }
0x97: {  	_ =	strace $0x8FFFFFFF  }
0x98: {  	s19 =	sld [smem:$0x3FDB];
	_ =	sdelay $0x1  }
0x99: {  	s4 =	simm.s32 $_scs_section_size  }
0x9a: {  	s5 =	simm.s32 $_size__tile_overlayer_lowered;
	s6 =	simm.s32 $_tile_overlayer_lowered  }
0x9b: {  	s22 =	simm.s32 $0x1BFF;
	s21 =	sshll.u32 s6, $0x1;
	s3 =	sadd.s32 s4, s19  }
0x9c: {  	s7 =	simm.s32 $0x0;
	s20 =	sshll.u32 s5, $0x1;
	s5 =	sadd.s32 s21, s3  }
0x9d: {  	[timem:s7], [sflag:s22] =	dma.local [hbm:s5], s20  }
0x9e: {  	_ =	swait.ge [sflag:s22], s20  }
0x9f: {  	s4 =	ssub.s32 $0x0, s20;
	[sflag:s22] =	ssyncset.done $0x0  }
0xa0: {  	[sflag:s22] =	ssyncadd.s32 s4;
	_ =	sdelay $0x1  }
0xa1: {  	s23 =	simm.s32 $0x1B8B  }
0xa2: {  	_ =	swait.ge [sflag:s23], $0x1  }
0xa3: {  	[sflag:s23] =	ssyncset.done $0x0  }
0xa4: {  	s25 =	simm.s32 $0x1B8E;
	s24 =	sld [smem:$0x3FFE];
	[sflag:s23] =	ssyncadd.s32 $0xFFFFFFFF  }
0xa5: {  	s26 =	simm.s32 $execute0_lowered;
	[smem:$0x3FD2] =	sst s25  }
0xa6: {  	s5 =	sshll.u32 s26, $0x1;
	_ =	strace $0x80000046;
	[dreg:$0x1] =	wrdreg $0xFFFFFFFF  }
0xa7: {  	s28 =	simm.s32 $_size_execute0_lowered;
	s3 =	sadd.s32 s3, s5;
	[dreg:$0x0] =	wrdreg $0x0  }
0xa8: {  	s5 =	sshll.u32 s28, $0x1;
	[dreg:$0x2] =	wrdreg s3  }
0xa9: {  	[dreg:$0x3] =	wrdreg s5  }
0xaa: {  	[dreg:$0x4] =	wrdreg $0xC0  }
0xab: {  	_ =	task [dreg:s7], $0x5FFFF  }
0xac: {  	[dreg:$0x1] =	wrdreg $0xFFFFFFFF  }
0xad: {  	[dreg:$0x0] =	wrdreg $0x60  }
0xae: {  	[dreg:$0x2] =	wrdreg s2  }
0xaf: {  	[dreg:$0x3] =	wrdreg s24  }
0xb0: {  	[dreg:$0x4] =	wrdreg $0x9  }
0xb1: {  	_ =	task.clear_ibuf [dreg:s7], $0x5FFFF;
	_ =	strace $0x90000046  }
0xb2: {  	s29 =	simm.s32 $0x9;
	_ =	strace $0x80000048  }
0xb3: {  	_ =	swait.ge [sflag:s29], $0x1  }
0xb4: {  	[sflag:s29] =	ssyncadd.s32 $0xFFFFFFFF  }
0xb5: {  	_ =	strace $0x90000048  }
0xb6: {  	_ =	sfence  }
0xb7: {  	s30 =	sld [smem:$0x0];
	_ =	sdelay $0x2  }
0xb8: {  	s31 =	sshll.u32 s1, $0xD;
	s1 =	sshrl.u32 s1, $0x2  }
0xb9: {  	s3 =	sand.u32 $0x4000, s31;
	s1 =	sadd.s32 s1, s30  }
0xba: {  	s0 =	sor.u32 s3, s0;
	s1 =	sshll.u32 s1, $0x11  }
0xbb: {  	s0 =	sor.u32 s1, s0  }
0xbc: {  	s0 =	sadd.s32 $0x8F2B, s0  }
0xbd: {  	[sflag:s0] =	ssyncadd.remote.s32 $0x1  }
0xbe: {  	_ =	sfence.sel $0xFFFF  }
0xbf: {  	[dreg:$0x0] =	wrdreg $0xFFFFFFFF;
	(pc) =	sbr.abs _section_cstart, $3  }
0xc0: {  	[dreg:$0x1] =	wrdreg $0xFFFFFFFF  }
0xc1: {  	_ =	task.clear_ibuf [dreg:s7], $0x2FFFF;
	_ =	strace $0x9FFFFFFF  }
0xc2: {  	(tm) =	ssettm $0x7FFFFFFF  }
0xc3: {  	_ =	shalt  }
tec
execute0_lowered:
.L_overlay_start_1:
0x0: {  	(tag) =	ssettag $0x1  }
0x1: {  	s0 =	srdreg.scid  }
0x2: {  	s9 =	stileid.u32;
	s1 =	rddreg [dreg:$0x0]  }
0x3: {  	s4 =	rddreg [dreg:$0x1];
	s15 =	smul.u32 $0x700000, s9  }
0x4: {  	s3 =	simm.s32 $0x0;
	s0 =	sand.u32 $0x1, s0;
	s21 =	smul.u32 $0xE0000, s9  }
0x5: {  	s2 =	sshll.u32 s9, $0x1;
	[smem:$0x7FF] =	sst s3;
	s18 =	smul.u32 $0x380000, s0  }
0x6: {  	s2 =	sor.u32 s0, s2;
	s6 =	ssub.s32 $0x2, s0;
	s0 =	smul.u32 $0x70000, s0  }
0x7: {  	s3 =	sadd.s32 $0xF42E00, s4;
	s4 =	sadd.s32 $0xA00, s4;
	s5 =	smul.u32 $0xC80, s2  }
0x8: {  	_ =	strace $0x80000047;
	s7 =	smul.u32 $0x70000, s2;
	s24 =	sadd.s32 s21, s4  }
0x9: {  	s8 =	sshrl.u32 s6, $0x1;
	s2 =	smul.u32 $0x380000, s2;
	s0 =	sadd.s32 s0, s24  }
0xa: {  	s1 =	sadd.s32 s1, s5;
	s5 =	sadd.s32 s4, s7;
	[dreg:$0x3] =	wrdreg s0  }
0xb: {  	s6 =	ssub.s32 s6, s8;
	[dreg:$0xa] =	wrdreg s1;
	s7 =	sadd.s32 $0x380, s5  }
0xc: {  	s28 =	sshrl.u32 s2, $0x3;
	s8 =	sadd.s32 $0x700, s5;
	[dreg:$0xb] =	wrdreg s7  }
0xd: {  	s1 =	sadd.s32 s4, s28;
	s10 =	sadd.s32 $0xA80, s5;
	[dreg:$0xc] =	wrdreg s8  }
0xe: {  	s31 =	simm.s32 $0x190;
	[dreg:$0xd] =	wrdreg s10;
	s11 =	sadd.s32 $0x6C800, s1  }
0xf: {  	s2 =	sadd.s32 s18, s15;
	s12 =	sadd.s32 $0x6CB80, s1;
	[dreg:$0xe] =	wrdreg s11  }
0x10: {  	s25 =	sor.u32 $0x1A400, s2;
	s13 =	sadd.s32 $0x6CF00, s1;
	[dreg:$0xf] =	wrdreg s12  }
0x11: {  	s28 =	sor.u32 $0x18800, s2;
	s14 =	sadd.s32 $0x6D280, s1;
	[dreg:$0x10] =	wrdreg s13  }
0x12: {  	s29 =	sadd.s32 $0x1500, s5;
	s16 =	sadd.s32 $0x6D600, s1;
	[dreg:$0x11] =	wrdreg s14  }
0x13: {  	s30 =	sadd.s32 $0x1880, s5;
	s17 =	sadd.s32 $0x6D980, s1;
	[dreg:$0x12] =	wrdreg s16  }
0x14: {  	s19 =	sadd.s32 $0x6DD00, s1;
	s20 =	sadd.s32 $0x6E080, s1;
	[dreg:$0x13] =	wrdreg s17  }
0x15: {  	s22 =	sadd.s32 $0x6E400, s1;
	s23 =	sadd.s32 $0x6E780, s1;
	[dreg:$0x14] =	wrdreg s19  }
0x16: {  	s26 =	sshrl.u32 s25, $0x3;
	s10 =	sshrl.u32 s28, $0x3;
	[dreg:$0x15] =	wrdreg s20  }
0x17: {  	s15 =	sadd.s32 $0x6EB00, s1;
	s24 =	sadd.s32 $0x6FC80, s1;
	[dreg:$0x16] =	wrdreg s22  }
0x18: {  	s25 =	smax.u32 s6, $0x1;
	s28 =	sadd.s32 $0x1180, s5;
	[dreg:$0x17] =	wrdreg s23  }
0x19: {  	s6 =	simm.s32 $0x80;
	s8 =	simm.s32 $0x7D00;
	[dreg:$0x18] =	wrdreg s15  }
0x1a: {  	s9 =	sadd.s32 s26, s4;
	s11 =	sadd.s32 s10, s4;
	[dreg:$0x1d] =	wrdreg s24  }
0x1b: {  	s12 =	sor.u32 $0x16C00, s2;
	s14 =	sor.u32 $0x15000, s2;
	[dreg:$0x1e] =	wrdreg s25  }
0x1c: {  	s17 =	sor.u32 $0x13400, s2;
	s2 =	sor.u32 $0x11800, s2;
	[smem:$0x7FD] =	sst s28  }
0x1d: {  	s19 =	sadd.s32 $0x6EE80, s1;
	s20 =	sadd.s32 $0x6F200, s1;
	[dreg:$0x9] =	wrdreg s9  }
0x1e: {  	s22 =	sadd.s32 $0x6F580, s1;
	s23 =	sadd.s32 $0x6F900, s1;
	[dreg:$0x8] =	wrdreg s11  }
0x1f: {  	s26 =	sadd.s32 $0xE00, s5;
	s1 =	simm.s32 $0x6400;
	[dreg:$0x19] =	wrdreg s19  }
0x20: {  	s10 =	simm.s32 $0x9600;
	s15 =	simm.s32 $0x0;
	[dreg:$0x1a] =	wrdreg s20  }
0x21: {  	s13 =	sshrl.u32 s12, $0x3;
	s7 =	sshrl.u32 s14, $0x3;
	[dreg:$0x1b] =	wrdreg s22  }
0x22: {  	s18 =	sshrl.u32 s17, $0x3;
	s2 =	sshrl.u32 s2, $0x3;
	[dreg:$0x1c] =	wrdreg s23  }
0x23: {  	[dreg:$0x1f] =	wrdreg s26;
	s9 =	simm.s32 $0x8980;
	s11 =	simm.s32 $0xA280  }
0x24: {  	s12 =	simm.s32 $0xAF00;
	s14 =	simm.s32 $0x2;
	s0 =	sadd.s32 s13, s4  }
0x25: {  	s16 =	sadd.s32 s7, s4;
	s21 =	sadd.s32 s2, s4;
	[dreg:$0x7] =	wrdreg s0  }
0x26: {  	s2 =	simm.s32 $0x12C00;
	s7 =	simm.s32 $0x7080;
	[dreg:$0x6] =	wrdreg s16  }
0x27: {  	s13 =	simm.s32 $0xBB80;
	s0 =	sadd.s32 s18, s4;
	[dreg:$0x4] =	wrdreg s21  }
0x28: {  	s4 =	simm.s32 $0x40;
	[dreg:$0x5] =	wrdreg s0;
	s0 =	simm.s32 $0x1  }
.LBB2_1:
0x29: {  	s17 =	simm.s32 $0x0;
	s16 =	rddreg [dreg:$0xa]  }
0x2a: {  	[tilespmem:s17], [sflag:$0x3] =	stream.linear.gather [hbm4b:s16+s17], $0x6400, $0x38;
	[tilespmem:$0x19000] =	vst v63  }
0x2b: {  	s16 =	simm.s32 $0x3  }
0x2c: {  	_ =	swait.ge [sflag:s16], $0x6400  }
0x2d: {  	[sflag:s16] =	ssyncset.done $0x0  }
0x2e: {  	[sflag:s16] =	ssyncadd.s32 $0xFFFF9C00  }
0x2f: {  	[tilespmem:s1], [sflag:$0x1] =	stream.indirect.gather [hbm4b:s3+s31], $0x40, s17, s31, $0xb8;
	[tilespmem:$0x19000] =	vst v63  }
0x30: {  	s25 =	simm.s32 $0xC800  }
0x31: {  	[tilespmem:s25], [sflag:$0x1] =	stream.indirect.gather [hbm4b:s3+s31], $0x40, s31, s31, $0xb8;
	[tilespmem:$0x19000] =	vst v63  }
0x32: {  	_ =	swait.ge [sflag:s0], $0x6400  }
0x33: {  	[sflag:s0] =	ssyncset.done $0x0  }
0x34: {  	s26 =	simm.s32 $0x320;
	[sflag:s0] =	ssyncadd.s32 $0xFFFF9C00  }
0x35: {  	[tilespmem:s2], [sflag:$0x1] =	stream.indirect.gather [hbm4b:s3+s31], $0x40, s26, s31, $0xb8;
	[tilespmem:$0x19000] =	vst v63  }
0x36: {  	s28 =	rddreg [dreg:$0xb]  }
0x37: {  	[hbm4b:s5+s4] =	stream.strided.scatter [tilespmem:s1], [sflag:$0x2], $0xC80, s6, s4, $0x38;
	[tilespmem:$0x19000] =	vst v63  }
0x38: {  	s18 =	rddreg [dreg:$0xc]  }
0x39: {  	[hbm4b:s28+s4] =	stream.strided.scatter [tilespmem:s7], [sflag:$0x2], $0xC80, s6, s4, $0x38;
	[tilespmem:$0x19000] =	vst v63  }
0x3a: {  	s19 =	rddreg [dreg:$0xd]  }
0x3b: {  	[hbm4b:s18+s4] =	stream.strided.scatter [tilespmem:s8], [sflag:$0x2], $0xC80, s6, s4, $0x38;
	[tilespmem:$0x19000] =	vst v63  }
0x3c: {  	s20 =	rddreg [dreg:$0x1f]  }
0x3d: {  	[hbm4b:s19+s4] =	stream.strided.scatter [tilespmem:s9], [sflag:$0x2], $0xC80, s6, s4, $0x38;
	[tilespmem:$0x19000] =	vst v63  }
0x3e: {  	s21 =	sld [smem:$0x7FD]  }
0x3f: {  	[hbm4b:s20+s4] =	stream.strided.scatter [tilespmem:s10], [sflag:$0x2], $0xC80, s6, s4, $0x38;
	[tilespmem:$0x19000] =	vst v63  }
0x40: {  	_ = 	snop  }
0x41: {  	[hbm4b:s21+s4] =	stream.strided.scatter [tilespmem:s11], [sflag:$0x2], $0xC80, s6, s4, $0x38;
	[tilespmem:$0x19000] =	vst v63  }
0x42: {  	_ = 	snop  }
0x43: {  	[hbm4b:s29+s4] =	stream.strided.scatter [tilespmem:s12], [sflag:$0x2], $0xC80, s6, s4, $0x38;
	[tilespmem:$0x19000] =	vst v63  }
0x44: {  	_ = 	snop  }
0x45: {  	[hbm4b:s30+s4] =	stream.strided.scatter [tilespmem:s13], [sflag:$0x2], $0xC80, s6, s4, $0x38;
	[tilespmem:$0x19000] =	vst v63  }
0x46: {  	_ =	swait.ge [sflag:s0], $0x6400  }
0x47: {  	[sflag:s0] =	ssyncset.done $0x0  }
0x48: {  	[sflag:s0] =	ssyncadd.s32 $0xFFFF9C00  }
0x49: {  	_ =	swait.ge [sflag:s14], $0xC80  }
0x4a: {  	[sflag:s14] =	ssyncset.done $0x0  }
0x4b: {  	[sflag:s14] =	ssyncadd.s32 $0xFFFFF380  }
0x4c: {  	_ =	swait.ge [sflag:s14], $0xC80  }
0x4d: {  	[sflag:s14] =	ssyncset.done $0x0  }
0x4e: {  	[sflag:s14] =	ssyncadd.s32 $0xFFFFF380  }
0x4f: {  	_ =	swait.ge [sflag:s14], $0xC80  }
0x50: {  	[sflag:s14] =	ssyncset.done $0x0  }
0x51: {  	[sflag:s14] =	ssyncadd.s32 $0xFFFFF380  }
0x52: {  	_ =	swait.ge [sflag:s14], $0xC80  }
0x53: {  	[sflag:s14] =	ssyncset.done $0x0  }
0x54: {  	s22 =	smul.u32 $0xAB, s16;
	[sflag:s14] =	ssyncadd.s32 $0xFFFFF380  }
0x55: {  	_ =	swait.ge [sflag:s14], $0xC80  }
0x56: {  	s17 =	sshrl.u32 s22, $0x9;
	s18 =	sadd.s32 $0xFFFFFEAA, s22;
	[sflag:s14] =	ssyncset.done $0x0  }
0x57: {  	s17 =	sand.u32 $0x7F, s17;
	s18 =	sshrl.u32 s18, $0x9;
	[sflag:s14] =	ssyncadd.s32 $0xFFFFF380  }
0x58: {  	s17 =	smul.u32 $0x3, s17;
	s18 =	sand.u32 $0x7F, s18;
	_ =	swait.ge [sflag:s14], $0xC80  }
0x59: {  	s18 =	smul.u32 $0x3, s18;
	[sflag:s14] =	ssyncset.done $0x0  }
0x5a: {  	[sflag:s14] =	ssyncadd.s32 $0xFFFFF380  }
0x5b: {  	s17 =	ssub.s32 $0x3, s17;
	s18 =	ssub.s32 $0x3, s18;
	_ =	swait.ge [sflag:s14], $0xC80  }
0x5c: {  	s17 =	sand.u32 $0xFF, s17;
	s18 =	sadd.s32 $0xFFFFFFFE, s18;
	[sflag:s14] =	ssyncset.done $0x0  }
0x5d: {  	s17 =	smul.u32 $0x19000, s17;
	s18 =	sand.u32 $0xFF, s18;
	[sflag:s14] =	ssyncadd.s32 $0xFFFFF380  }
0x5e: {  	s18 =	smul.u32 $0x19000, s18;
	_ =	swait.ge [sflag:s14], $0xC80  }
0x5f: {  	s17 =	sshrl.u32 s17, $0x2;
	s21 =	rddreg [dreg:$0x3]  }
0x60: {  	s17 =	sadd.s32 $0x6400, s17;
	s20 =	sshrl.u32 s18, $0x2;
	s24 =	rddreg [dreg:$0x4]  }
0x61: {  	s19 =	simm.s32 $0x4B0;
	s18 =	sadd.s32 $0x6400, s20;
	s25 =	rddreg [dreg:$0x5]  }
0x62: {  	s26 =	sadd.s32 $0x7080, s20;
	[sflag:s14] =	ssyncset.done $0x0;
	s28 =	rddreg [dreg:$0x6]  }
0x63: {  	[sflag:s14] =	ssyncadd.s32 $0xFFFFF380;
	s23 =	sadd.s32 $0x0, s21;
	s22 =	sadd.s32 $0x0, s24  }
0x64: {  	[tilespmem:s17], [sflag:$0x1] =	stream.indirect.gather [hbm4b:s3+s31], $0x40, s19, s31, $0xb8;
	[tilespmem:$0x19000] =	vst v63  }
0x65: {  	s24 =	sadd.s32 $0x8980, s20;
	s21 =	sadd.s32 $0x1C00, s23;
	s17 =	sadd.s32 $0x1F80, s23  }
0x66: {  	[hbm4b:s21+s4] =	stream.strided.scatter [tilespmem:s18], [sflag:$0x2], $0xC80, s6, s4, $0x38;
	[tilespmem:$0x19000] =	vst v63  }
0x67: {  	s23 =	sadd.s32 $0x7D00, s20;
	s19 =	simm.s32 $0x0;
	s18 =	sadd.s32 $0x0, s25  }
0x68: {  	[hbm4b:s17+s4] =	stream.strided.scatter [tilespmem:s26], [sflag:$0x2], $0xC80, s6, s4, $0x38;
	[tilespmem:$0x19000] =	vst v63  }
0x69: {  	s25 =	rddreg [dreg:$0x7];
	s21 =	sadd.s32 $0xA280, s20;
	s17 =	simm.s32 $0x1C00  }
0x6a: {  	[hbm4b:s22+s4] =	stream.strided.scatter [tilespmem:s23], [sflag:$0x2], $0xC80, s6, s4, $0x38;
	[tilespmem:$0x19000] =	vst v63  }
0x6b: {  	s26 =	sadd.s32 $0x0, s28;
	s28 =	sadd.s32 $0x9600, s20;
	s22 =	rddreg [dreg:$0x9]  }
0x6c: {  	[hbm4b:s18+s4] =	stream.strided.scatter [tilespmem:s24], [sflag:$0x2], $0xC80, s6, s4, $0x38;
	[tilespmem:$0x19000] =	vst v63  }
0x6d: {  	s23 =	sadd.s32 $0x0, s25;
	s18 =	simm.s32 $0x640;
	s24 =	rddreg [dreg:$0x8]  }
0x6e: {  	[hbm4b:s26+s4] =	stream.strided.scatter [tilespmem:s28], [sflag:$0x2], $0xC80, s6, s4, $0x38;
	[tilespmem:$0x19000] =	vst v63  }
.LBB2_2:
0x6f: {  	[hbm4b:s23+s4] =	stream.strided.scatter [tilespmem:s21], [sflag:$0x2], $0xC80, s6, s4, $0x38;
	[tilespmem:$0x19000] =	vst v63  }
0x70: {  	s23 =	sadd.s32 s19, s24;
	s24 =	sadd.s32 $0xAF00, s20  }
0x71: {  	[hbm4b:s23+s4] =	stream.strided.scatter [tilespmem:s24], [sflag:$0x2], $0xC80, s6, s4, $0x38;
	[tilespmem:$0x19000] =	vst v63  }
0x72: {  	s22 =	sadd.s32 s19, s22;
	s25 =	sadd.s32 $0xBB80, s20  }
0x73: {  	[hbm4b:s22+s4] =	stream.strided.scatter [tilespmem:s25], [sflag:$0x2], $0xC80, s6, s4, $0x38;
	[tilespmem:$0x19000] =	vst v63  }
0x74: {  	_ =	swait.ge [sflag:s0], $0x6400  }
0x75: {  	[sflag:s0] =	ssyncset.done $0x0  }
0x76: {  	[sflag:s0] =	ssyncadd.s32 $0xFFFF9C00  }
0x77: {  	_ =	swait.ge [sflag:s14], $0xC80  }
0x78: {  	[sflag:s14] =	ssyncset.done $0x0  }
0x79: {  	[sflag:s14] =	ssyncadd.s32 $0xFFFFF380  }
0x7a: {  	_ =	swait.ge [sflag:s14], $0xC80  }
0x7b: {  	[sflag:s14] =	ssyncset.done $0x0  }
0x7c: {  	[sflag:s14] =	ssyncadd.s32 $0xFFFFF380  }
0x7d: {  	_ =	swait.ge [sflag:s14], $0xC80  }
0x7e: {  	[sflag:s14] =	ssyncset.done $0x0  }
0x7f: {  	s16 =	sadd.s32 $0x1, s16;
	[sflag:s14] =	ssyncadd.s32 $0xFFFFF380  }
0x80: {  	s25 =	smul.u32 $0xAB, s16;
	_ =	swait.ge [sflag:s14], $0xC80  }
0x81: {  	[sflag:s14] =	ssyncset.done $0x0  }
0x82: {  	s26 =	sadd.s32 $0xFFFFFEAA, s25;
	s20 =	sshrl.u32 s25, $0x9;
	[sflag:s14] =	ssyncadd.s32 $0xFFFFF380  }
0x83: {  	s21 =	sshrl.u32 s26, $0x9;
	s20 =	sand.u32 $0x7F, s20;
	_ =	swait.ge [sflag:s14], $0xC80  }
0x84: {  	s21 =	sand.u32 $0x7F, s21;
	s20 =	smul.u32 $0x3, s20;
	[sflag:s14] =	ssyncset.done $0x0  }
0x85: {  	s21 =	smul.u32 $0x3, s21;
	[sflag:s14] =	ssyncadd.s32 $0xFFFFF380  }
0x86: {  	p0 =	sne.s32 s17, $0x69000;
	_ =	swait.ge [sflag:s14], $0xC80  }
0x87: {  	s20 =	ssub.s32 s16, s20;
	s21 =	ssub.s32 s16, s21;
	[sflag:s14] =	ssyncset.done $0x0  }
0x88: {  	s20 =	sand.u32 $0xFF, s20;
	s21 =	sadd.s32 $0xFFFFFFFE, s21;
	[sflag:s14] =	ssyncadd.s32 $0xFFFFF380  }
0x89: {  	s20 =	smul.u32 $0x19000, s20;
	s21 =	sand.u32 $0xFF, s21;
	_ =	swait.ge [sflag:s14], $0xC80  }
0x8a: {  	s19 =	smov.u32 s17;
	s24 =	smul.u32 $0x19000, s21;
	[sflag:s14] =	ssyncset.done $0x0  }
0x8b: {  	s17 =	sadd.s32 $0x1C00, s17;
	s20 =	sshrl.u32 s20, $0x2;
	[sflag:s14] =	ssyncadd.s32 $0xFFFFF380  }
0x8c: {  	s28 =	sadd.s32 $0x6400, s20;
	s20 =	sshrl.u32 s24, $0x2;
	_ =	swait.ge [sflag:s14], $0xC80  }
0x8d: {  	s23 =	sadd.s32 $0x6400, s20;
	[sflag:s14] =	ssyncset.done $0x0;
	s25 =	rddreg [dreg:$0x3]  }
0x8e: {  	s24 =	rddreg [dreg:$0x4];
	[sflag:s14] =	ssyncadd.s32 $0xFFFFF380;
	s22 =	sadd.s32 s19, s25  }
0x8f: {  	[tilespmem:s28], [sflag:$0x1] =	stream.indirect.gather [hbm4b:s3+s31], $0x40, s18, s31, $0xb8;
	[tilespmem:$0x19000] =	vst v63  }
0x90: {  	s21 =	sadd.s32 $0xA280, s20;
	s25 =	rddreg [dreg:$0x5];
	s26 =	sadd.s32 $0x1C00, s22  }
0x91: {  	[hbm4b:s26+s4] =	stream.strided.scatter [tilespmem:s23], [sflag:$0x2], $0xC80, s6, s4, $0x38;
	[tilespmem:$0x19000] =	vst v63  }
0x92: {  	s28 =	rddreg [dreg:$0x6];
	s22 =	sadd.s32 $0x1F80, s22;
	s23 =	sadd.s32 $0x7080, s20  }
0x93: {  	[hbm4b:s22+s4] =	stream.strided.scatter [tilespmem:s23], [sflag:$0x2], $0xC80, s6, s4, $0x38;
	[tilespmem:$0x19000] =	vst v63  }
0x94: {  	s26 =	rddreg [dreg:$0x7];
	s23 =	sadd.s32 s19, s24;
	s24 =	sadd.s32 $0x7D00, s20  }
0x95: {  	[hbm4b:s23+s4] =	stream.strided.scatter [tilespmem:s24], [sflag:$0x2], $0xC80, s6, s4, $0x38;
	[tilespmem:$0x19000] =	vst v63  }
.Ltmp0:
0x96: {  	s18 =	sadd.s32 $0x190, s18;
	s22 =	rddreg [dreg:$0x9];
	(pc) =	sbr.rel @p0 .LBB2_2-.Ltmp0, $4  }
0x97: {  	s24 =	sadd.s32 s19, s25;
	s25 =	sadd.s32 $0x8980, s20;
	s23 =	sadd.s32 s19, s26  }
0x98: {  	[hbm4b:s24+s4] =	stream.strided.scatter [tilespmem:s25], [sflag:$0x2], $0xC80, s6, s4, $0x38;
	[tilespmem:$0x19000] =	vst v63  }
0x99: {  	s26 =	sadd.s32 s19, s28;
	s28 =	sadd.s32 $0x9600, s20;
	s24 =	rddreg [dreg:$0x8]  }
0x9a: {  	[hbm4b:s26+s4] =	stream.strided.scatter [tilespmem:s28], [sflag:$0x2], $0xC80, s6, s4, $0x38;
	[tilespmem:$0x19000] =	vst v63  }
0x9b: {  	[hbm4b:s23+s4] =	stream.strided.scatter [tilespmem:s21], [sflag:$0x2], $0xC80, s6, s4, $0x38;
	[tilespmem:$0x19000] =	vst v63  }
0x9c: {  	s16 =	sadd.s32 s19, s24;
	s17 =	sadd.s32 $0xAF00, s20  }
0x9d: {  	[hbm4b:s16+s4] =	stream.strided.scatter [tilespmem:s17], [sflag:$0x2], $0xC80, s6, s4, $0x38;
	[tilespmem:$0x19000] =	vst v63  }
0x9e: {  	s23 =	sadd.s32 s19, s22;
	s24 =	sadd.s32 $0xBB80, s20  }
0x9f: {  	[hbm4b:s23+s4] =	stream.strided.scatter [tilespmem:s24], [sflag:$0x2], $0xC80, s6, s4, $0x38;
	[tilespmem:$0x19000] =	vst v63  }
0xa0: {  	_ =	swait.ge [sflag:s0], $0x6400  }
0xa1: {  	[sflag:s0] =	ssyncset.done $0x0  }
0xa2: {  	[sflag:s0] =	ssyncadd.s32 $0xFFFF9C00  }
0xa3: {  	_ =	swait.ge [sflag:s14], $0xC80  }
0xa4: {  	[sflag:s14] =	ssyncset.done $0x0  }
0xa5: {  	[sflag:s14] =	ssyncadd.s32 $0xFFFFF380  }
0xa6: {  	_ =	swait.ge [sflag:s14], $0xC80  }
0xa7: {  	[sflag:s14] =	ssyncset.done $0x0  }
0xa8: {  	[sflag:s14] =	ssyncadd.s32 $0xFFFFF380  }
0xa9: {  	_ =	swait.ge [sflag:s14], $0xC80  }
0xaa: {  	[sflag:s14] =	ssyncset.done $0x0  }
0xab: {  	[sflag:s14] =	ssyncadd.s32 $0xFFFFF380  }
0xac: {  	_ =	swait.ge [sflag:s14], $0xC80  }
0xad: {  	[sflag:s14] =	ssyncset.done $0x0  }
0xae: {  	[sflag:s14] =	ssyncadd.s32 $0xFFFFF380  }
0xaf: {  	_ =	swait.ge [sflag:s14], $0xC80  }
0xb0: {  	[sflag:s14] =	ssyncset.done $0x0  }
0xb1: {  	[sflag:s14] =	ssyncadd.s32 $0xFFFFF380  }
0xb2: {  	_ =	swait.ge [sflag:s14], $0xC80  }
0xb3: {  	[sflag:s14] =	ssyncset.done $0x0  }
0xb4: {  	[sflag:s14] =	ssyncadd.s32 $0xFFFFF380  }
0xb5: {  	_ =	swait.ge [sflag:s14], $0xC80  }
0xb6: {  	[sflag:s14] =	ssyncset.done $0x0  }
0xb7: {  	[sflag:s14] =	ssyncadd.s32 $0xFFFFF380  }
0xb8: {  	_ =	swait.ge [sflag:s14], $0xC80  }
0xb9: {  	[sflag:s14] =	ssyncset.done $0x0  }
0xba: {  	s25 =	rddreg [dreg:$0xe];
	[sflag:s14] =	ssyncadd.s32 $0xFFFFF380  }
0xbb: {  	[hbm4b:s25+s4] =	stream.strided.scatter [tilespmem:s2], [sflag:$0x2], $0xC80, s6, s4, $0x38;
	[tilespmem:$0x19000] =	vst v63  }
0xbc: {  	s28 =	simm.s32 $0x13880;
	s26 =	rddreg [dreg:$0xf]  }
0xbd: {  	[hbm4b:s26+s4] =	stream.strided.scatter [tilespmem:s28], [sflag:$0x2], $0xC80, s6, s4, $0x38;
	[tilespmem:$0x19000] =	vst v63  }
0xbe: {  	s19 =	simm.s32 $0x14500;
	s18 =	rddreg [dreg:$0x10]  }
0xbf: {  	[hbm4b:s18+s4] =	stream.strided.scatter [tilespmem:s19], [sflag:$0x2], $0xC80, s6, s4, $0x38;
	[tilespmem:$0x19000] =	vst v63  }
0xc0: {  	s21 =	simm.s32 $0x15180;
	s20 =	rddreg [dreg:$0x11]  }
0xc1: {  	[hbm4b:s20+s4] =	stream.strided.scatter [tilespmem:s21], [sflag:$0x2], $0xC80, s6, s4, $0x38;
	[tilespmem:$0x19000] =	vst v63  }
0xc2: {  	s23 =	simm.s32 $0x15E00;
	s22 =	rddreg [dreg:$0x12]  }
0xc3: {  	[hbm4b:s22+s4] =	stream.strided.scatter [tilespmem:s23], [sflag:$0x2], $0xC80, s6, s4, $0x38;
	[tilespmem:$0x19000] =	vst v63  }
0xc4: {  	s24 =	rddreg [dreg:$0x13];
	s25 =	simm.s32 $0x16A80  }
0xc5: {  	[hbm4b:s24+s4] =	stream.strided.scatter [tilespmem:s25], [sflag:$0x2], $0xC80, s6, s4, $0x38;
	[tilespmem:$0x19000] =	vst v63  }
0xc6: {  	s26 =	rddreg [dreg:$0x14];
	s28 =	simm.s32 $0x17700  }
0xc7: {  	[hbm4b:s26+s4] =	stream.strided.scatter [tilespmem:s28], [sflag:$0x2], $0xC80, s6, s4, $0x38;
	[tilespmem:$0x19000] =	vst v63  }
0xc8: {  	s17 =	rddreg [dreg:$0x15];
	s18 =	simm.s32 $0x18380  }
0xc9: {  	[hbm4b:s17+s4] =	stream.strided.scatter [tilespmem:s18], [sflag:$0x2], $0xC80, s6, s4, $0x38;
	[tilespmem:$0x19000] =	vst v63  }
0xca: {  	_ =	swait.ge [sflag:s0], $0x6400  }
0xcb: {  	[sflag:s0] =	ssyncset.done $0x0  }
0xcc: {  	[sflag:s0] =	ssyncadd.s32 $0xFFFF9C00  }
0xcd: {  	_ =	swait.ge [sflag:s14], $0xC80  }
0xce: {  	[sflag:s14] =	ssyncset.done $0x0  }
0xcf: {  	[sflag:s14] =	ssyncadd.s32 $0xFFFFF380  }
0xd0: {  	_ =	swait.ge [sflag:s14], $0xC80  }
0xd1: {  	[sflag:s14] =	ssyncset.done $0x0  }
0xd2: {  	[sflag:s14] =	ssyncadd.s32 $0xFFFFF380  }
0xd3: {  	_ =	swait.ge [sflag:s14], $0xC80  }
0xd4: {  	[sflag:s14] =	ssyncset.done $0x0  }
0xd5: {  	[sflag:s14] =	ssyncadd.s32 $0xFFFFF380  }
0xd6: {  	_ =	swait.ge [sflag:s14], $0xC80  }
0xd7: {  	[sflag:s14] =	ssyncset.done $0x0  }
0xd8: {  	[sflag:s14] =	ssyncadd.s32 $0xFFFFF380  }
0xd9: {  	_ =	swait.ge [sflag:s14], $0xC80  }
0xda: {  	[sflag:s14] =	ssyncset.done $0x0  }
0xdb: {  	[sflag:s14] =	ssyncadd.s32 $0xFFFFF380  }
0xdc: {  	_ =	swait.ge [sflag:s14], $0xC80  }
0xdd: {  	[sflag:s14] =	ssyncset.done $0x0  }
0xde: {  	[sflag:s14] =	ssyncadd.s32 $0xFFFFF380  }
0xdf: {  	_ =	swait.ge [sflag:s14], $0xC80  }
0xe0: {  	[sflag:s14] =	ssyncset.done $0x0  }
0xe1: {  	[sflag:s14] =	ssyncadd.s32 $0xFFFFF380  }
0xe2: {  	_ =	swait.ge [sflag:s14], $0xC80  }
0xe3: {  	[sflag:s14] =	ssyncset.done $0x0  }
0xe4: {  	s19 =	rddreg [dreg:$0x16];
	[sflag:s14] =	ssyncadd.s32 $0xFFFFF380  }
0xe5: {  	[hbm4b:s19+s4] =	stream.strided.scatter [tilespmem:s1], [sflag:$0x2], $0xC80, s6, s4, $0x38;
	[tilespmem:$0x19000] =	vst v63  }
0xe6: {  	s20 =	rddreg [dreg:$0x17]  }
0xe7: {  	[hbm4b:s20+s4] =	stream.strided.scatter [tilespmem:s7], [sflag:$0x2], $0xC80, s6, s4, $0x38;
	[tilespmem:$0x19000] =	vst v63  }
0xe8: {  	s21 =	rddreg [dreg:$0x18]  }
0xe9: {  	[hbm4b:s21+s4] =	stream.strided.scatter [tilespmem:s8], [sflag:$0x2], $0xC80, s6, s4, $0x38;
	[tilespmem:$0x19000] =	vst v63  }
0xea: {  	s22 =	rddreg [dreg:$0x19]  }
0xeb: {  	[hbm4b:s22+s4] =	stream.strided.scatter [tilespmem:s9], [sflag:$0x2], $0xC80, s6, s4, $0x38;
	[tilespmem:$0x19000] =	vst v63  }
0xec: {  	s23 =	rddreg [dreg:$0x1a]  }
0xed: {  	[hbm4b:s23+s4] =	stream.strided.scatter [tilespmem:s10], [sflag:$0x2], $0xC80, s6, s4, $0x38;
	[tilespmem:$0x19000] =	vst v63  }
0xee: {  	s24 =	rddreg [dreg:$0x1b]  }
0xef: {  	[hbm4b:s24+s4] =	stream.strided.scatter [tilespmem:s11], [sflag:$0x2], $0xC80, s6, s4, $0x38;
	[tilespmem:$0x19000] =	vst v63  }
0xf0: {  	s25 =	rddreg [dreg:$0x1c]  }
0xf1: {  	[hbm4b:s25+s4] =	stream.strided.scatter [tilespmem:s12], [sflag:$0x2], $0xC80, s6, s4, $0x38;
	[tilespmem:$0x19000] =	vst v63  }
0xf2: {  	s26 =	rddreg [dreg:$0x1d]  }
0xf3: {  	[hbm4b:s26+s4] =	stream.strided.scatter [tilespmem:s13], [sflag:$0x2], $0xC80, s6, s4, $0x38;
	[tilespmem:$0x19000] =	vst v63  }
0xf4: {  	_ =	swait.ge [sflag:s14], $0xC80  }
0xf5: {  	[sflag:s14] =	ssyncset.done $0x0  }
0xf6: {  	[sflag:s14] =	ssyncadd.s32 $0xFFFFF380  }
0xf7: {  	_ =	swait.ge [sflag:s14], $0xC80  }
0xf8: {  	[sflag:s14] =	ssyncset.done $0x0  }
0xf9: {  	[sflag:s14] =	ssyncadd.s32 $0xFFFFF380  }
0xfa: {  	_ =	swait.ge [sflag:s14], $0xC80  }
0xfb: {  	[sflag:s14] =	ssyncset.done $0x0  }
0xfc: {  	[sflag:s14] =	ssyncadd.s32 $0xFFFFF380  }
0xfd: {  	_ =	swait.ge [sflag:s14], $0xC80  }
0xfe: {  	[sflag:s14] =	ssyncset.done $0x0  }
0xff: {  	[sflag:s14] =	ssyncadd.s32 $0xFFFFF380  }
0x100: {  	_ =	swait.ge [sflag:s14], $0xC80  }
0x101: {  	[sflag:s14] =	ssyncset.done $0x0  }
0x102: {  	[sflag:s14] =	ssyncadd.s32 $0xFFFFF380  }
0x103: {  	_ =	swait.ge [sflag:s14], $0xC80  }
0x104: {  	[sflag:s14] =	ssyncset.done $0x0  }
0x105: {  	[sflag:s14] =	ssyncadd.s32 $0xFFFFF380  }
0x106: {  	_ =	swait.ge [sflag:s14], $0xC80  }
0x107: {  	[sflag:s14] =	ssyncset.done $0x0  }
0x108: {  	[sflag:s14] =	ssyncadd.s32 $0xFFFFF380  }
0x109: {  	_ =	swait.ge [sflag:s14], $0xC80  }
0x10a: {  	s15 =	sadd.s32 $0x1, s15;
	s28 =	rddreg [dreg:$0x1e]  }
0x10b: {  	p0 =	sne.s32 s15, s28  }
.Ltmp1:
0x10c: {  	_ = 	snop;
	(pc) =	sbr.rel @p0 .LBB2_1-.Ltmp1, $3  }
0x10d: {  	_ =	sdelay $0x1  }
0x10e: {  	[sflag:s14] =	ssyncset.done $0x0  }
0x10f: {  	[sflag:s14] =	ssyncadd.s32 $0xFFFFF380  }
0x110: {  	_ =	sfence.sel $0x180000  }
0x111: {  	[bflag:$0x0] =	sbarrier.arrive $0xFFFF  }
0x112: {  	_ =	strace $0x90000047  }
0x113: {  	s0 =	stileid.u32;
	[bflag:$0x2] =	sbarrier.arrive $0xFFFF  }
0x114: {  	p0 =	sne.s32 s0, $0x0;
	s0 =	rddreg [dreg:$0x2]  }
0x115: {  	s0 =	sadd.s32 @!p0 $0x100000, s0  }
0x116: {  	[sflag:s0] =	ssyncadd.tile.s32 @!p0 $0x1;
	_ =	shalt  }
.Lfunc_end2:
_tile_overlayer_lowered:
.L_overlay_start_2:
0x117: {  	(tag) =	ssettag $0x2  }
0x118: {  	s0 =	rddreg [dreg:$0x0];
	s2 =	stileid.u32  }
0x119: {  	s1 =	rddreg [dreg:$0x1];
	p0 =	sne.s32 s2, $0x0  }
0x11a: {  	s3 =	rddreg [dreg:$0x2];
	[bflag:$0x3] =	sbarrier.arrive $0xFFFF;
	s2 =	simm.s32 @!p0 $0x1C03  }
0x11b: {  	[timem:s3], [sflag:s2] =	dma.local @!p0 [hbm:s0], s1  }
0x11c: {  	s0 =	simm.s32 @!p0 $0x3  }
0x11d: {  	_ =	swait.ge @!p0 [sflag:s0], s1  }
0x11e: {  	s1 =	ssub.s32 @!p0 $0x0, s1;
	[sflag:s0] =	ssyncset.done @!p0 $0x0  }
0x11f: {  	[sflag:s0] =	ssyncadd.s32 @!p0 s1  }
0x120: {  	[bflag:$0x3] =	sbarrier.arrive $0xFFFF  }
0x121: {  	_ =	shalt  }

// kernel: sparse-core-data-format-call.cloned.1.call-start
scs
called_computation_lowered:
.L_overlay_start_0:
0x0: {  	s2 =	sld [smem:$0x3FD9]  }
0x1: {  	s3 =	sld [smem:$0x3FFE];
	_ =	sdelay $0x1  }
0x2: {  	s1 =	srdreg.scid  }
0x3: {  	s0 =	sand.u32 $0x1, s1  }
0x4: {  	s18 =	sshll.u32 s0, $0xA;
	s2 =	sadd.s32 s3, s2  }
0x5: {  	s2 =	sadd.s32 s2, s18  }
0x6: {  	[smem:$0x3FC6] =	sst s2  }
0x7: {  	_ = 	snop  }
0x8: {  	s2 =	sld [smem:$0x3FD0];
	(tm) =	ssettm $0x1  }
0x9: {  	s19 =	sld [smem:$0x3FFB];
	_ =	sdelay $0x3  }
0xa: {  	_ =	strace s19  }
0xb: {  	s3 =	sld [smem:$0x3FFC];
	_ =	sdelay $0x3  }
0xc: {  	_ =	strace s3  }
0xd: {  	s3 =	sld [smem:$0x3FFD];
	_ =	sdelay $0x3  }
0xe: {  	_ =	strace s3  }
0xf: {  	_ =	strace $0x8FFFFFFF  }
0x10: {  	s20 =	sld [smem:$0x3FDB];
	_ =	sdelay $0x1  }
0x11: {  	s4 =	simm.s32 $_scs_section_size  }
0x12: {  	s5 =	simm.s32 $_size__tile_overlayer_lowered;
	s6 =	simm.s32 $_tile_overlayer_lowered  }
0x13: {  	s23 =	simm.s32 $0x1BFF;
	s22 =	sshll.u32 s6, $0x1;
	s3 =	sadd.s32 s4, s20  }
0x14: {  	s7 =	simm.s32 $0x0;
	s21 =	sshll.u32 s5, $0x1;
	s5 =	sadd.s32 s22, s3  }
0x15: {  	[timem:s7], [sflag:s23] =	dma.local [hbm:s5], s21  }
0x16: {  	_ =	swait.ge [sflag:s23], s21  }
0x17: {  	s4 =	ssub.s32 $0x0, s21;
	[sflag:s23] =	ssyncset.done $0x0  }
0x18: {  	[sflag:s23] =	ssyncadd.s32 s4;
	_ =	sdelay $0x1  }
0x19: {  	s24 =	simm.s32 $0x1B8B  }
0x1a: {  	_ =	swait.ge [sflag:s24], $0x1  }
0x1b: {  	[sflag:s24] =	ssyncset.done $0x0  }
0x1c: {  	s26 =	simm.s32 $0x1B8E;
	s25 =	sld [smem:$0x3FFE];
	[sflag:s24] =	ssyncadd.s32 $0xFFFFFFFF  }
0x1d: {  	s27 =	simm.s32 $execute0_lowered;
	[smem:$0x3FD2] =	sst s26  }
0x1e: {  	s5 =	sshll.u32 s27, $0x1;
	_ =	strace $0x80000049;
	[dreg:$0x1] =	wrdreg $0xFFFFFFFF  }
0x1f: {  	s28 =	simm.s32 $_size_execute0_lowered;
	s3 =	sadd.s32 s3, s5;
	[dreg:$0x0] =	wrdreg $0x0  }
0x20: {  	s5 =	sshll.u32 s28, $0x1;
	[dreg:$0x2] =	wrdreg s3  }
0x21: {  	[dreg:$0x3] =	wrdreg s5  }
0x22: {  	[dreg:$0x4] =	wrdreg $0xC0  }
0x23: {  	_ =	task [dreg:s7], $0x5FFFF  }
0x24: {  	[dreg:$0x1] =	wrdreg $0xFFFFFFFF  }
0x25: {  	[dreg:$0x0] =	wrdreg $0x60  }
0x26: {  	[dreg:$0x2] =	wrdreg s25  }
0x27: {  	[dreg:$0x3] =	wrdreg s2  }
0x28: {  	[dreg:$0x4] =	wrdreg $0x9  }
0x29: {  	_ =	task.clear_ibuf [dreg:s7], $0x5FFFF;
	_ =	strace $0x90000049  }
0x2a: {  	s29 =	simm.s32 $0x9;
	_ =	strace $0x8000004B  }
0x2b: {  	_ =	swait.ge [sflag:s29], $0x1  }
0x2c: {  	[sflag:s29] =	ssyncadd.s32 $0xFFFFFFFF  }
0x2d: {  	_ =	strace $0x9000004B  }
0x2e: {  	_ =	sfence  }
0x2f: {  	s30 =	sld [smem:$0x0];
	_ =	sdelay $0x2  }
0x30: {  	s31 =	sshll.u32 s1, $0xD;
	s1 =	sshrl.u32 s1, $0x2  }
0x31: {  	s3 =	sand.u32 $0x4000, s31;
	s1 =	sadd.s32 s1, s30  }
0x32: {  	s0 =	sor.u32 s3, s0;
	s1 =	sshll.u32 s1, $0x11  }
0x33: {  	s0 =	sor.u32 s1, s0  }
0x34: {  	s0 =	sadd.s32 $0x8F2B, s0  }
0x35: {  	[sflag:s0] =	ssyncadd.remote.s32 $0x1  }
0x36: {  	_ =	sfence.sel $0xFFFF  }
0x37: {  	[dreg:$0x0] =	wrdreg $0xFFFFFFFF;
	(pc) =	sbr.abs _section_cstart, $3  }
0x38: {  	[dreg:$0x1] =	wrdreg $0xFFFFFFFF  }
0x39: {  	_ =	task.clear_ibuf [dreg:s7], $0x2FFFF;
	_ =	strace $0x9FFFFFFF  }
0x3a: {  	(tm) =	ssettm $0x7FFFFFFF  }
0x3b: {  	_ =	shalt  }
tec
execute0_lowered:
.L_overlay_start_1:
0x0: {  	(tag) =	ssettag $0x1  }
0x1: {  	s0 =	srdreg.scid  }
0x2: {  	s1 =	sshll.u32 s0, $0x4  }
0x3: {  	s0 =	stileid.u32;
	s1 =	sand.u32 $0x10, s1  }
0x4: {  	s1 =	sor.u32 s0, s1  }
0x5: {  	s6 =	rddreg [dreg:$0x0];
	s4 =	simm.s32 $0x1;
	s2 =	sshll.u32 s1, $0x7  }
0x6: {  	s7 =	simm.s32 $0x2;
	s12 =	simm.s32 $0x0;
	s1 =	ssub.s32 $0x4000, s2  }
0x7: {  	s8 =	simm.s32 $0x20000;
	s13 =	simm.s32 $0x0;
	s3 =	sand.u32 $0xF80, s1  }
0x8: {  	s9 =	simm.s32 $0x0;
	s5 =	sshrl.u32 s1, $0xC;
	p0 =	sne.s32 s3, $0x0  }
.Ltmp0:
0x9: {  	s1 =	rddreg [dreg:$0x2];
	s4 =	simm.s32 @!p0 $0x0;
	(pc) =	sbr.rel .LBB1_1-.Ltmp0, $4  }
0xa: {  	s11 =	simm.s32 $0x0;
	s3 =	rddreg [dreg:$0x1];
	s5 =	sadd.s32 s4, s5  }
0xb: {  	_ =	strace $0x8000004A;
	s4 =	simm.s32 $0x1;
	s5 =	smul.u32 $0x32, s5  }
0xc: {  	s6 =	sadd.s32 $0xA00, s6;
	s10 =	smov.u32 s2;
	[sflag:s4] =	ssyncpa.u1 $0x0  }
0xd: {  	p0 =	por $0x0, $0x0;
	[sflag:s7] =	ssyncpa.u1 $0x0;
	s7 =	sor.u32 $0x1, s5  }
.LBB1_4:
0xe: {  	s16 =	sshll.u32 s13, $0x3;
	s17 =	sand.u32 $0x78, s13  }
0xf: {  	s30 =	sand.u32 $0x1F800, s13;
	s12 =	sshll.u32 s12, $0x11;
	s16 =	sand.u32 $0x3C00, s16  }
0x10: {  	[tilespmem:s15+$0x810 ss:$0x81] =	vst.msk $0xffff, v2;
	s31 =	sand.u32 $0x7, s13;
	s16 =	sor.u32 s17, s16;
	s17 =	sadd.s32 s3, s30  }
0x11: {  	[tilespmem:s15+$0x1020 ss:$0x81] =	vst.msk $0xffff, v0;
	s13 =	sshll.u32 s31, $0x12;
	s12 =	sadd.s32 s12, s17;
	s16 =	sshrl.u32 s16, $0x3  }
0x12: {  	[tilespmem:s15+$0x0 ss:$0x81] =	vst.msk $0xffff, v1;
	s13 =	sor.u32 $0x400, s13;
	s12 =	sadd.s32 s16, s12  }
0x13: {  	[hbm4b:s12+s13] =	stream.strided.scatter [tilespmem:s14], [sflag:$0x2], $0x2000, s8, s13, $0x20;
	[tilespmem:$0x8080] =	vst v63  }
.LBB1_5:
0x14: {  	s14 =	sadd.s32 $0x1, s9  }
0x15: {  	s12 =	sadd.s32 $0x1000, s10;
	s16 =	smov.u32 s10;
	p2 =	sgt.s32 s14, $0x31  }
0x16: {  	s16 =	smov.u32 @p2 s12  }
0x17: {  	s14 =	simm.s32 @p2 $0x0;
	p2 =	sgt.s32 s16, $0x3FFF  }
0x18: {  	s16 =	smov.u32 @p2 s2;
	p2 =	sne.s32 s11, s7  }
.Ltmp1:
0x19: {  	p1 =	slt.u32 s11, $0x2;
	(pc) =	sbr.rel @!p2 .LBB1_6-.Ltmp1, $4  }
0x1a: {  	s15 =	simm.s32 @!p1 $0x2  }
0x1b: {  	s13 =	smov.u32 s10;
	p0 =	por !p0, !p0;
	_ =	swait.ge @!p1 [sflag:s15], $0x2000  }
0x1c: {  	s12 =	smov.u32 s9;
	[sflag:s15] =	ssyncset.done @!p1 $0x0;
	s9 =	smov.u32 s14  }
0x1d: {  	s11 =	sadd.s32 $0x1, s11;
	[sflag:s15] =	ssyncadd.s32 @!p1 $0xFFFFE000;
	s10 =	smov.u32 s16  }
.LBB1_1:
0x1e: {  	p1 =	sge.u32 s11, s5  }
0x1f: {  	s14 =	sand.u32 @!p1 $0x1FFFFFF, s9  }
0x20: {  	s15 =	smulhi.u32 @!p1 $0x4924925, s14;
	_ =	sdelay $0x1  }
0x21: {  	s15 =	smul.u32 @!p1 $0x38, s15  }
0x22: {  	s16 =	sxor.u32 @!p1 $0xFFFFFFFF, s11;
	s17 =	smul.u32 @!p1 $0x380, s10  }
0x23: {  	s31 =	sadd.s32 $0xFFFFFFFF, s11;
	s16 =	sshll.u32 @!p1 s16, $0xD;
	s14 =	ssub.s32 @!p1 s14, s15  }
0x24: {  	s15 =	sand.u32 @!p1 $0x2000, s16;
	s16 =	sadd.s32 @!p1 s6, s17;
	s14 =	sshll.u32 @!p1 s14, $0x4  }
0x25: {  	s17 =	simm.s32 @!p1 $0x1C00;
	s14 =	sadd.s32 @!p1 s14, s16;
	s16 =	simm.s32 @!p1 $0x40  }
0x26: {  	[tilespmem:s15], [sflag:$0x1] =	stream.strided.gather @!p1 [hbm4b:s14+s16], $0x2000, s17, s16, $0x38;
	[tilespmem:$0x8080] =	vst v63  }
0x27: {  	p1 =	sge.u32 s31, s5  }
.Ltmp2:
0x28: {  	_ = 	snop;
	(pc) =	sbr.rel @p1 .LBB1_5-.Ltmp2, $1  }
0x29: {  	_ =	sdelay $0x3  }
0x2a: {  	s14 =	simm.s32 $0x1  }
0x2b: {  	_ =	swait.ge [sflag:s4], $0x2000;
	s14 =	simm.s32 @!p0 $0x0  }
0x2c: {  	[sflag:s4] =	ssyncset.done $0x0;
	s15 =	sshll.u32 s14, $0xD  }
0x2d: {  	[sflag:s4] =	ssyncadd.s32 $0xFFFFE000;
	s18 =	sor.u32 $0x20, s15  }
0x2e: {  	s14 =	smul.u32 $0x8100, s14;
	v3 =	vld [tilespmem:s18+$0x10]  }
0x2f: {  	s30 =	sand.u32 $0x1, s11;
	v2 =	vld [tilespmem:s18+$0xFFFFFFF0]  }
0x30: {  	s15 =	smul.u32 $0x8100, s30;
	s14 =	sshrl.u32 s14, $0x2;
	v0 =	vld [tilespmem:s18+$0x0]  }
0x31: {  	v1 =	vld [tilespmem:s18+$0xFFFFFFE0];
	s16 =	sor.u32 $0x4000, s14  }
0x32: {  	s31 =	sshrl.u32 s15, $0x2;
	s15 =	sadd.s32 $0x0, s16  }
0x33: {  	s17 =	simm.s32 $0x4;
	s18 =	sadd.s32 $0x40, s18;
	s14 =	sor.u32 $0x4000, s31;
	[tilespmem:s15+$0x1830 ss:$0x81] =	vst.msk $0xffff, v3  }
.LBB1_3:
0x34: {  	v3 =	vld [tilespmem:s18+$0x10];
	p1 =	sne.s32 s17, $0x1FC;
	[tilespmem:s15+$0x810 ss:$0x81] =	vst.msk $0xffff, v2;
	s19 =	smov.u32 s17;
	s17 =	sadd.s32 $0x4, s17  }
.Ltmp3:
0x35: {  	v2 =	vld [tilespmem:s18+$0xFFFFFFF0];
	[tilespmem:s15+$0x1020 ss:$0x81] =	vst.msk $0xffff, v0;
	(pc) =	sbr.rel @p1 .LBB1_3-.Ltmp3, $4  }
0x36: {  	v0 =	vld [tilespmem:s18+$0x0];
	[tilespmem:s15+$0x0 ss:$0x81] =	vst.msk $0xffff, v1  }
0x37: {  	s15 =	sshra.s32 s19, $0x2;
	v1 =	vld [tilespmem:s18+$0xFFFFFFE0]  }
0x38: {  	s15 =	sadd.s32 s15, s16  }
0x39: {  	s18 =	sadd.s32 $0x40, s18;
	[tilespmem:s15+$0x1830 ss:$0x81] =	vst.msk $0xffff, v3  }
.Ltmp4:
0x3a: {  	_ = 	snop;
	(pc) =	sbr.rel .LBB1_4-.Ltmp4, $1  }
0x3b: {  	_ =	sdelay $0x3  }
.LBB1_6:
0x3c: {  	_ =	sfence.sel $0x180000  }
0x3d: {  	s2 =	simm.s32 $0x1;
	[bflag:$0x0] =	sbarrier.arrive $0xFFFF  }
0x3e: {  	s31 =	simm.s32 $0x2;
	[sflag:s2] =	ssyncpa.u1 $0x1  }
0x3f: {  	[sflag:s31] =	ssyncpa.u1 $0x1  }
0x40: {  	p0 =	sne.s32 s0, $0x0;
	_ =	strace $0x9000004A  }
0x41: {  	s0 =	sadd.s32 @!p0 $0x100000, s1;
	[bflag:$0x2] =	sbarrier.arrive $0xFFFF  }
0x42: {  	[sflag:s0] =	ssyncadd.tile.s32 @!p0 $0x1;
	_ =	shalt  }
.Lfunc_end1:
_tile_overlayer_lowered:
.L_overlay_start_2:
0x43: {  	(tag) =	ssettag $0x2  }
0x44: {  	s0 =	rddreg [dreg:$0x0];
	s2 =	stileid.u32  }
0x45: {  	s1 =	rddreg [dreg:$0x1];
	p0 =	sne.s32 s2, $0x0  }
0x46: {  	s3 =	rddreg [dreg:$0x2];
	[bflag:$0x3] =	sbarrier.arrive $0xFFFF;
	s2 =	simm.s32 @!p0 $0x1C01  }
0x47: {  	[timem:s3], [sflag:s2] =	dma.local @!p0 [hbm:s0], s1  }
0x48: {  	s0 =	simm.s32 @!p0 $0x1  }
0x49: {  	_ =	swait.ge @!p0 [sflag:s0], s1  }
0x4a: {  	s1 =	ssub.s32 @!p0 $0x0, s1;
	[sflag:s0] =	ssyncset.done @!p0 $0x0  }
0x4b: {  	[sflag:s0] =	ssyncadd.s32 @!p0 s1  }
0x4c: {  	[bflag:$0x3] =	sbarrier.arrive $0xFFFF  }
0x4d: {  	_ =	shalt  }

</sc_bundles>
